<compile_context>
chip_gen: v7x
topology: tpu7x:2x2x1
jax: 0.10.2.dev20260603
libtpu: 0.0.44.dev20260713+nightly
codegen_flags: <defaults>
</compile_context>

<pallas_src>
import functools
import jax
import jax.numpy as jnp
from jax import lax
from jax.experimental import pallas as pl
from jax.experimental.pallas import tpu as pltpu
from jax.experimental.pallas import tpu_sc as plsc

N = 2048
NT = 5
NC = 2
E = 65536
F_IN = 256
F_OUT = 128
NCLS = 8


_SLAB_ROWS = 512
_SLAB_WORDS = _SLAB_ROWS * N
_SHARE = _SLAB_WORDS // 16
_EPT = E // 16
_NVEC = _EPT // 16
_CHUNK = 256
_CAP = _EPT + 2 * _CHUNK


def _sc_scatter_body(src_h, dst_h, val_h, zeros_h, out_h,
                     src_v, dst_v, val_v, idx_v, sval_v, sem_e, sem_z, sem_s,
                     slab):
    c = lax.axis_index("c")
    s = lax.axis_index("s")

    zf = jnp.zeros((16,), jnp.float32)
    zi = jnp.zeros((16,), jnp.int32)

    def round_body(r, carry):
        e = r // 2
        half = r % 2
        lo = half * 1024 + c * _SLAB_ROWS

        zcp = pltpu.async_copy(zeros_h.at[pl.ds(s * _SHARE, _SHARE)],
                               slab.at[pl.ds(s * _SHARE, _SHARE)], sem_z)
        cp1 = pltpu.async_copy(src_h.at[e, pl.ds(s * _EPT, _EPT)], src_v, sem_e)
        cp2 = pltpu.async_copy(dst_h.at[e, pl.ds(s * _EPT, _EPT)], dst_v, sem_e)
        cp3 = pltpu.async_copy(val_h.at[e, pl.ds(s * _EPT, _EPT)], val_v, sem_e)
        cp1.wait()
        cp2.wait()
        cp3.wait()

        def zpair(i, cc):
            idx_v[pl.ds(i * 16, 16)] = zi
            sval_v[pl.ds(i * 16, 16)] = zf
            return cc

        lax.fori_loop(0, _CAP // 16, zpair, 0)

        def vec(i, nv):
            sv = src_v[pl.ds(i * 16, 16)]
            dv = dst_v[pl.ds(i * 16, 16)]
            vv = val_v[pl.ds(i * 16, 16)]
            m = (sv >= lo) & (sv < lo + _SLAB_ROWS)
            mi = jnp.where(m, jnp.int32(1), jnp.int32(0))
            pref = plsc.cumsum(mi)
            pos = jnp.where(m, nv + pref - 1, _CAP - 16)
            iv = jnp.where(m, (sv - lo) * N + dv, 0)
            fv = jnp.where(m, vv, 0.0)
            plsc.store_scatter(idx_v, [pos], iv)
            plsc.store_scatter(sval_v, [pos], fv)
            return nv + plsc.all_reduce_population_count(m)

        nv = lax.fori_loop(0, _NVEC, vec, jnp.zeros((16,), jnp.int32))
        ns = nv[0]

        zcp.wait()
        plsc.subcore_barrier()

        for j in range(_EPT // _CHUNK):
            @pl.when(j * _CHUNK < ns)
            def _(j=j):
                pltpu.async_copy(sval_v.at[pl.ds(j * _CHUNK, _CHUNK)],
                                 slab.at[idx_v.at[pl.ds(j * _CHUNK, _CHUNK)]],
                                 sem_s, add=True)

        for j in range(_EPT // _CHUNK):
            @pl.when(j * _CHUNK < ns)
            def _(j=j):
                pltpu.make_async_copy(
                    sval_v.at[pl.ds(j * _CHUNK, _CHUNK)],
                    slab.at[idx_v.at[pl.ds(j * _CHUNK, _CHUNK)]],
                    sem_s).wait()
        plsc.subcore_barrier()

        base = e * (N * N) + lo * N + s * _SHARE
        pltpu.sync_copy(slab.at[pl.ds(s * _SHARE, _SHARE)],
                        out_h.at[pl.ds(base, _SHARE)])
        return carry

    lax.fori_loop(0, NT * 2, round_body, 0)


def _build_adjacency(src, dst, val):
    mesh = plsc.VectorSubcoreMesh(core_axis_name="c", subcore_axis_name="s")
    k = pl.kernel(
        _sc_scatter_body,
        out_type=jax.ShapeDtypeStruct((NT * N * N,), jnp.float32),
        mesh=mesh,
        compiler_params=pltpu.CompilerParams(needs_layout_passes=False),
        scratch_types=[
            pltpu.VMEM((_EPT,), jnp.int32),
            pltpu.VMEM((_EPT,), jnp.int32),
            pltpu.VMEM((_EPT,), jnp.float32),
            pltpu.VMEM((_CAP,), jnp.int32),
            pltpu.VMEM((_CAP,), jnp.float32),
            pltpu.SemaphoreType.DMA,
            pltpu.SemaphoreType.DMA,
            pltpu.SemaphoreType.DMA,
            pltpu.VMEM_SHARED((_SLAB_WORDS,), jnp.float32),
        ],
    )
    zeros = jnp.zeros((_SLAB_WORDS,), jnp.float32)
    return k(src, dst, val, zeros)



_BR = 128


def _combine_body(wa_ref, wb_ref, wc_ref, a_ref, m_ref, u_ref):
    i = pl.program_id(0)
    fa = jax.nn.softmax(wa_ref[...], axis=1)
    fb = jax.nn.softmax(wb_ref[...], axis=1)
    fc = jax.nn.softmax(wc_ref[...], axis=1)
    w = jnp.concatenate([fa, fb, fc], axis=0)
    a = a_ref[...]
    outs = []
    for mchan in range(3 * NC):
        acc = w[mchan, 0] * a[0]
        for t in range(1, NT):
            acc = acc + w[mchan, t] * a[t]
        outs.append(acc)
    m = jnp.stack(outs, axis=0)
    m_ref[...] = m.astype(jnp.bfloat16)

    @pl.when(i == 0)
    def _():
        u_ref[...] = jnp.zeros_like(u_ref)

    u_ref[...] += m[0:NC].sum(axis=1)[:, None, :]


def _combine(wa, wb, wc, a):
    grid = (N // _BR,)
    return pl.pallas_call(
        _combine_body,
        grid=grid,
        in_specs=[
            pl.BlockSpec((NC, NT), lambda i: (0, 0)),
            pl.BlockSpec((NC, NT), lambda i: (0, 0)),
            pl.BlockSpec((NC, NT), lambda i: (0, 0)),
            pl.BlockSpec((NT, _BR, N), lambda i: (0, i, 0)),
        ],
        out_specs=[
            pl.BlockSpec((3 * NC, _BR, N), lambda i: (0, i, 0)),
            pl.BlockSpec((NC, 1, N), lambda i: (0, 0, 0)),
        ],
        out_shape=[
            jax.ShapeDtypeStruct((3 * NC, N, N), jnp.bfloat16),
            jax.ShapeDtypeStruct((NC, 1, N), jnp.float32),
        ],
        compiler_params=pltpu.CompilerParams(
            dimension_semantics=("arbitrary",)),
    )(wa, wb, wc, a)



_KB = 256


def _mvt_body(prologue, m_ref, v1_ref, v2_ref, o_ref):
    k = pl.program_id(1)
    v = prologue(v1_ref[...], v2_ref[...])[0].astype(jnp.bfloat16)
    row = jnp.dot(v, m_ref[0], preferred_element_type=jnp.float32)

    @pl.when(k == 0)
    def _():
        o_ref[...] = jnp.zeros_like(o_ref)

    o_ref[...] += row[None]


def _mvt(mx, base, v1, v2, prologue):
    grid = (NC, N // _KB)
    return pl.pallas_call(
        functools.partial(_mvt_body, prologue),
        grid=grid,
        in_specs=[
            pl.BlockSpec((1, _KB, N), lambda c, k: (base + c, k, 0)),
            pl.BlockSpec((1, 1, _KB), lambda c, k: (c, 0, k)),
            pl.BlockSpec((1, 1, _KB), lambda c, k: (c, 0, k)),
        ],
        out_specs=pl.BlockSpec((1, 1, N), lambda c, k: (c, 0, 0)),
        out_shape=jax.ShapeDtypeStruct((NC, 1, N), jnp.float32),
        compiler_params=pltpu.CompilerParams(
            dimension_semantics=("arbitrary", "arbitrary")),
    )(mx, v1, v2)


def _mvn_body(prologue, m_ref, v1_ref, v2_ref, o_ref):
    v = prologue(v1_ref[...], v2_ref[...])[0, 0].astype(jnp.bfloat16)
    o_ref[...] = jnp.dot(m_ref[0], v,
                         preferred_element_type=jnp.float32)[None, None, :]


def _mvn(mx, base, v1, v2, prologue):
    grid = (NC, N // _KB)
    return pl.pallas_call(
        functools.partial(_mvn_body, prologue),
        grid=grid,
        in_specs=[
            pl.BlockSpec((1, _KB, N), lambda c, r: (base + c, r, 0)),
            pl.BlockSpec((1, 1, N), lambda c, r: (c, 0, 0)),
            pl.BlockSpec((1, 1, N), lambda c, r: (c, 0, 0)),
        ],
        out_specs=pl.BlockSpec((1, 1, _KB), lambda c, r: (c, 0, r)),
        out_shape=jax.ShapeDtypeStruct((NC, 1, N), jnp.float32),
        compiler_params=pltpu.CompilerParams(
            dimension_semantics=("arbitrary", "arbitrary")),
    )(mx, v1, v2)


def _id2(a, b):
    return a


def _maskf(a, b):
    return (a > 0).astype(jnp.float32)


def _dinv(a, b):
    return jnp.where(a > 0, 1.0 / jnp.where(a > 0, a, 1.0), 0.0)


def _dinv_mul(a, b):
    return jnp.where(a > 0, 1.0 / jnp.where(a > 0, a, 1.0), 0.0) * b



_JB = 1024


def _mm1_body(m_ref, h_ref, d_ref, o_ref):
    k = pl.program_id(2)
    d = d_ref[0, 0]
    nout = jnp.where(d > 0, lax.rsqrt(jnp.where(d > 0, d, 1.0)), 0.0)
    hs = (h_ref[...] * nout[:, None]).astype(jnp.bfloat16)
    part = lax.dot_general(m_ref[0], hs, (((0,), (0,)), ((), ())),
                           preferred_element_type=jnp.float32)

    @pl.when(k == 0)
    def _():
        o_ref[...] = jnp.zeros_like(o_ref)

    o_ref[...] += part[None]


def _mm1(mx, h, deg_raw):
    grid = (NC, N // _JB, N // _KB)
    return pl.pallas_call(
        _mm1_body,
        grid=grid,
        in_specs=[
            pl.BlockSpec((1, _KB, _JB), lambda c, j, k: (c, k, j)),
            pl.BlockSpec((_KB, F_IN), lambda c, j, k: (k, 0)),
            pl.BlockSpec((1, 1, _KB), lambda c, j, k: (c, 0, k)),
        ],
        out_specs=pl.BlockSpec((1, _JB, F_IN), lambda c, j, k: (c, j, 0)),
        out_shape=jax.ShapeDtypeStruct((NC, N, F_IN), jnp.float32),
        compiler_params=pltpu.CompilerParams(
            dimension_semantics=("arbitrary", "arbitrary", "arbitrary")),
    )(mx, h, deg_raw)


def _mm2_body(m_ref, t_ref, s_ref, o_ref):
    k = pl.program_id(2)
    nk = pl.num_programs(2)
    part = lax.dot_general(m_ref[0], t_ref[0].astype(jnp.bfloat16),
                           (((0,), (0,)), ((), ())),
                           preferred_element_type=jnp.float32)

    @pl.when(k == 0)
    def _():
        o_ref[...] = jnp.zeros_like(o_ref)

    o_ref[...] += part[None]

    @pl.when(k == nk - 1)
    def _():
        sc = _dinv(s_ref[0, 0], None)
        o_ref[...] *= sc[None, :, None]


def _mm2(mx, base, t, s_raw):
    grid = (NC, N // _JB, N // _KB)
    return pl.pallas_call(
        _mm2_body,
        grid=grid,
        in_specs=[
            pl.BlockSpec((1, _KB, _JB), lambda c, j, k: (base + c, k, j)),
            pl.BlockSpec((1, _KB, F_IN), lambda c, j, k: (c, k, 0)),
            pl.BlockSpec((1, 1, _JB), lambda c, j, k: (c, 0, j)),
        ],
        out_specs=pl.BlockSpec((1, _JB, F_IN), lambda c, j, k: (c, j, 0)),
        out_shape=jax.ShapeDtypeStruct((NC, N, F_IN), jnp.float32),
        compiler_params=pltpu.CompilerParams(
            dimension_semantics=("arbitrary", "arbitrary", "arbitrary")),
    )(mx, t, s_raw)


def _mm3_body(m_ref, t_ref, s_ref, w_ref, b_ref, o_ref, acc):
    k = pl.program_id(2)
    nk = pl.num_programs(2)
    part = lax.dot_general(m_ref[0], t_ref[0].astype(jnp.bfloat16),
                           (((0,), (0,)), ((), ())),
                           preferred_element_type=jnp.float32)

    @pl.when(k == 0)
    def _():
        acc[...] = jnp.zeros_like(acc)

    acc[...] += part

    @pl.when(k == nk - 1)
    def _():
        sc = _dinv(s_ref[0, 0], None)
        agg = acc[...] * sc[:, None]
        res = jnp.dot(agg, w_ref[...], preferred_element_type=jnp.float32)
        o_ref[...] = jnp.maximum(res + b_ref[...], 0.0)[None]


def _mm3(mx, base, t, s_raw, gcn_w, gcn_b):
    grid = (NC, N // _JB, N // _KB)
    return pl.pallas_call(
        _mm3_body,
        grid=grid,
        in_specs=[
            pl.BlockSpec((1, _KB, _JB), lambda c, j, k: (base + c, k, j)),
            pl.BlockSpec((1, _KB, F_IN), lambda c, j, k: (c, k, 0)),
            pl.BlockSpec((1, 1, _JB), lambda c, j, k: (c, 0, j)),
            pl.BlockSpec((F_IN, F_OUT), lambda c, j, k: (0, 0)),
            pl.BlockSpec((1, F_OUT), lambda c, j, k: (0, 0)),
        ],
        out_specs=pl.BlockSpec((1, _JB, F_OUT), lambda c, j, k: (c, j, 0)),
        out_shape=jax.ShapeDtypeStruct((NC, N, F_OUT), jnp.float32),
        scratch_shapes=[pltpu.VMEM((_JB, F_IN), jnp.float32)],
        compiler_params=pltpu.CompilerParams(
            dimension_semantics=("arbitrary", "arbitrary", "arbitrary")),
    )(mx, t, s_raw, gcn_w, gcn_b)


def _head_body(x_ref, w1_ref, b1_ref, w2_ref, b2_ref, o_ref):
    xc = jnp.concatenate([x_ref[0], x_ref[1]], axis=1)
    x1 = jnp.dot(xc, w1_ref[...], preferred_element_type=jnp.float32)
    x1 = jnp.maximum(x1 + b1_ref[...], 0.0)
    y = jnp.dot(x1, w2_ref[...], preferred_element_type=jnp.float32)
    o_ref[...] = y + b2_ref[...]


def _head(x, w1, b1, w2, b2):
    grid = (N // _JB,)
    return pl.pallas_call(
        _head_body,
        grid=grid,
        in_specs=[
            pl.BlockSpec((NC, _JB, F_OUT), lambda r: (0, r, 0)),
            pl.BlockSpec((NC * F_OUT, F_OUT), lambda r: (0, 0)),
            pl.BlockSpec((1, F_OUT), lambda r: (0, 0)),
            pl.BlockSpec((F_OUT, NCLS), lambda r: (0, 0)),
            pl.BlockSpec((1, NCLS), lambda r: (0, 0)),
        ],
        out_specs=pl.BlockSpec((_JB, NCLS), lambda r: (r, 0)),
        out_shape=jax.ShapeDtypeStruct((N, NCLS), jnp.float32),
        compiler_params=pltpu.CompilerParams(
            dimension_semantics=("arbitrary",)),
    )(x, w1, b1, w2, b2)



def _dense_pipeline(a, h, w_l0c1, w_l0c2, w_l1c1,
                    gcn_W, gcn_b, lin1_W, lin1_b, lin2_W, lin2_b):
    mx, u = _combine(w_l0c1, w_l0c2, w_l1c1, a)

    s0 = _mvt(mx, NC, u, u, _id2)
    s1 = _mvt(mx, 2 * NC, s0, s0, _maskf)
    y1 = _mvn(mx, 2 * NC, s1, s1, _dinv)
    y2 = _mvn(mx, NC, s0, y1, _dinv_mul)
    deg = _mvn(mx, 0, y2, y2, _id2)

    t1 = _mm1(mx, h, deg)
    t2 = _mm2(mx, NC, t1, s0)
    x = _mm3(mx, 2 * NC, t2, s1, gcn_W, gcn_b.reshape(1, F_OUT))
    return _head(x, lin1_W, lin1_b.reshape(1, F_OUT),
                 lin2_W, lin2_b.reshape(1, NCLS))


def kernel(edge_index, edge_value, h, w_l0c1, w_l0c2, w_l1c1,
           gcn_W, gcn_b, lin1_W, lin1_b, lin2_W, lin2_b):
    src = edge_index[:, 0, :].astype(jnp.int32)
    dst = edge_index[:, 1, :].astype(jnp.int32)
    a = _build_adjacency(src, dst, edge_value)
    a = a.reshape(NT, N, N)
    return _dense_pipeline(a, h, w_l0c1, w_l0c2, w_l1c1,
                           gcn_W, gcn_b, lin1_W, lin1_b, lin2_W, lin2_b)

# --- scband reference (transcript-rebuilt; emitter-appended) ---
"""Pipeline reference for scband-gtn-84550726189101 (READ-ONLY COPY).

The authoritative reference and input builder live on the scoring server;
editing this copy changes nothing except your own understanding.
"""

import jax, jax.numpy as jnp
import numpy as np

NUM_NODES = 2048
NUM_EDGE = 5
NUM_CHANNELS = 2
W_IN = 256
W_OUT = 128
NUM_CLASS = 8
E_PER_TYPE = 65536


def _gt_conv(weight, A):
    # GTConv: softmax over edge types, convex combination of adjacency matrices
    # (concatenation of scaled edge lists + coalesce == summed dense matrices)
    filt = jax.nn.softmax(weight, axis=1)  # [C, num_edge]
    return jnp.einsum('ce,enm->cnm', filt, A)  # [C, N, N]


def _normalization(H):
    # GTN.normalization/norm: deg = scatter_add of edge_weight by col (column sums),
    # value *= deg[col]^-1  (note: pow(-1), not -1/2, matching the torch code)
    deg = H.sum(axis=1)  # [C, N] column sums
    mask = (deg > 0).astype(H.dtype)
    dinv = (1.0 / jnp.where(deg > 0, deg, 1.0)) * mask
    return H * dinv[:, None, :]


def _graph_conv(A, h, W, b):
    # DGL GraphConv(norm='both') with edge weights, dense form.
    # A[src, dst] = weight; aggregation at dst: X = A^T h
    deg_out = A.sum(axis=1)
    deg_in = A.sum(axis=0)
    m_out = (deg_out > 0).astype(A.dtype)
    m_in = (deg_in > 0).astype(A.dtype)
    n_out = jnp.where(deg_out > 0, deg_out, 1.0) ** -0.5 * m_out
    n_in = jnp.where(deg_in > 0, deg_in, 1.0) ** -0.5 * m_in
    hs = h * n_out[:, None]
    agg = A.T @ hs
    agg = agg * n_in[:, None]
    return agg @ W + b


def setup_inputs(seed: int = 0):
    key = jax.random.key(seed)
    ks = jax.random.split(key, 12)
    edge_index = jax.random.randint(ks[0], (NUM_EDGE, 2, E_PER_TYPE), 0, NUM_NODES)
    edge_value = jax.random.uniform(ks[1], (NUM_EDGE, E_PER_TYPE), dtype=jnp.float32)
    h = jax.random.normal(ks[2], (NUM_NODES, W_IN), dtype=jnp.float32)
    # GTConv weights: layer0 has conv1+conv2 (first=True), layer1 has conv1 only
    w_l0c1 = 0.01 * jax.random.normal(ks[3], (NUM_CHANNELS, NUM_EDGE), dtype=jnp.float32)
    w_l0c2 = 0.01 * jax.random.normal(ks[4], (NUM_CHANNELS, NUM_EDGE), dtype=jnp.float32)
    w_l1c1 = 0.01 * jax.random.normal(ks[5], (NUM_CHANNELS, NUM_EDGE), dtype=jnp.float32)
    gcn_W = jax.random.normal(ks[6], (W_IN, W_OUT), dtype=jnp.float32) / np.sqrt(W_IN)
    gcn_b = jnp.zeros((W_OUT,), dtype=jnp.float32)
    lin1_W = jax.random.normal(ks[7], (W_OUT * NUM_CHANNELS, W_OUT), dtype=jnp.float32) / np.sqrt(W_OUT * NUM_CHANNELS)
    lin1_b = jnp.zeros((W_OUT,), dtype=jnp.float32)
    lin2_W = jax.random.normal(ks[8], (W_OUT, NUM_CLASS), dtype=jnp.float32) / np.sqrt(W_OUT)
    lin2_b = jnp.zeros((NUM_CLASS,), dtype=jnp.float32)
    return {
        'edge_index': edge_index, 'edge_value': edge_value, 'h': h,
        'w_l0c1': w_l0c1, 'w_l0c2': w_l0c2, 'w_l1c1': w_l1c1,
        'gcn_W': gcn_W, 'gcn_b': gcn_b,
        'lin1_W': lin1_W, 'lin1_b': lin1_b,
        'lin2_W': lin2_W, 'lin2_b': lin2_b,
    }


def reference(edge_index, edge_value, h, w_l0c1, w_l0c2, w_l1c1,
              gcn_W, gcn_b, lin1_W, lin1_b, lin2_W, lin2_b):
    # Build dense adjacency per edge type (scatter-add == coalesce of duplicates)
    A = jnp.zeros((NUM_EDGE, NUM_NODES, NUM_NODES), dtype=jnp.float32)
    t_idx = jnp.repeat(jnp.arange(NUM_EDGE), E_PER_TYPE)
    src = edge_index[:, 0, :].reshape(-1)
    dst = edge_index[:, 1, :].reshape(-1)
    A = A.at[t_idx, src, dst].add(edge_value.reshape(-1))

    # Layer 0 (first=True): H = conv1(A) @ conv2(A) per channel (spspmm)
    RA = _gt_conv(w_l0c1, A)
    RB = _gt_conv(w_l0c2, A)
    H = jnp.einsum('cij,cjk->cik', RA, RB)
    H = _normalization(H)

    # Layer 1 (first=False): H = H @ conv1(A) per channel
    RB2 = _gt_conv(w_l1c1, A)
    H = jnp.einsum('cij,cjk->cik', H, RB2)
    H = _normalization(H)

    # Per-channel GCN on learned meta-path graph, concat, MLP head
    Xs = [jax.nn.relu(_graph_conv(H[i], h, gcn_W, gcn_b)) for i in range(NUM_CHANNELS)]
    X = jnp.concatenate(Xs, axis=1)
    X = jax.nn.relu(X @ lin1_W + lin1_b)
    y = X @ lin2_W + lin2_b
    return y


if False:  # reference __main__ guard neutralized (emitter)
    out = reference(**setup_inputs())
    print(out.shape)

if __name__ == "__main__":
    import jax
    _d = setup_inputs()
    print(jax.jit(kernel)(*tuple(_d.values())))

</pallas_src>

<mosaic_0001>
#map = affine_map<(d0, d1) -> (0, 0)>
#map1 = affine_map<(d0, d1) -> (0)>
module attributes {stable_mosaic.version = 14 : i64} {
  func.func @_sc_scatter_body(%arg0: i32, %arg1: i32, %arg2: memref<5x65536xi32, #tpu.memory_space<hbm>>, %arg3: memref<5x65536xi32, #tpu.memory_space<hbm>>, %arg4: memref<5x65536xf32, #tpu.memory_space<hbm>>, %arg5: memref<1048576xf32, #tpu.memory_space<hbm>>, %arg6: memref<20971520xf32, #tpu.memory_space<hbm>>, %arg7: memref<4096xi32, #tpu.memory_space<vmem>>, %arg8: memref<4096xi32, #tpu.memory_space<vmem>>, %arg9: memref<4096xf32, #tpu.memory_space<vmem>>, %arg10: memref<4608xi32, #tpu.memory_space<vmem>>, %arg11: memref<4608xf32, #tpu.memory_space<vmem>>, %arg12: memref<!tpu.dma_semaphore, #tpu.memory_space<semaphore_mem>>, %arg13: memref<!tpu.dma_semaphore, #tpu.memory_space<semaphore_mem>>, %arg14: memref<!tpu.dma_semaphore, #tpu.memory_space<semaphore_mem>>, %arg15: memref<1048576xf32, #tpu.memory_space<vmem_shared>>) attributes {dimension_semantics = [#tpu.dimension_semantics<core_parallel>, #tpu.dimension_semantics<subcore_parallel>], iteration_bounds = array<i64: 2, 16>, scalar_prefetch = 0 : i64, scratch_operands = 9 : i64, tpu.core_type = #tpu.core_type<sc_vector_subcore>, window_params = [{transform_indices = #map}, {transform_indices = #map}, {transform_indices = #map}, {transform_indices = #map1}, {transform_indices = #map1}]} {
    %broadcast_in_dim3A = arith.constant 0.000000e+00 : f32
    %broadcast_in_dim3A_0 = vector.broadcast %broadcast_in_dim3A : f32 to vector<16xf32>
    %broadcast_in_dim3A_1 = arith.constant 0 : i32
    %broadcast_in_dim3A_2 = vector.broadcast %broadcast_in_dim3A_1 : i32 to vector<16xi32>
    %scan3A = arith.constant 0 : i32
    %scan3A_3 = arith.constant 0 : i32
    %scan3A_4 = arith.constant 10 : i32
    %scan3A_5 = arith.addi %scan3A_3, %scan3A_4 : i32
    %scan3A_6 = arith.constant 1 : i32
    scf.for %scan3A_8 = %scan3A_3 to %scan3A_5 step %scan3A_6  : i32 {
      %jit3A = arith.constant 2 : i32
      %div3A = arith.divsi %scan3A_8, %jit3A : i32
      %sign3A = arith.constant 0 : i32
      %sign3A_9 = arith.cmpi sgt, %scan3A_8, %sign3A : i32
      %sign3A_10 = arith.extui %sign3A_9 : i1 to i32
      %sign3A_11 = arith.constant 0 : i32
      %sign3A_12 = arith.cmpi slt, %scan3A_8, %sign3A_11 : i32
      %sign3A_13 = arith.extui %sign3A_12 : i1 to i32
      %sign3A_14 = arith.subi %sign3A_10, %sign3A_13 : i32
      %sign3A_15 = arith.constant 0 : i32
      %sign3A_16 = arith.cmpi sgt, %jit3A, %sign3A_15 : i32
      %sign3A_17 = arith.extui %sign3A_16 : i1 to i32
      %sign3A_18 = arith.constant 0 : i32
      %sign3A_19 = arith.cmpi slt, %jit3A, %sign3A_18 : i32
      %sign3A_20 = arith.extui %sign3A_19 : i1 to i32
      %sign3A_21 = arith.subi %sign3A_17, %sign3A_20 : i32
      %ne3A = arith.cmpi ne, %sign3A_14, %sign3A_21 : i32
      %rem3A = arith.remsi %scan3A_8, %jit3A : i32
      %ne3A_22 = arith.constant 0 : i32
      %ne3A_23 = arith.cmpi ne, %rem3A, %ne3A_22 : i32
      %and3A = arith.andi %ne3A, %ne3A_23 : i1
      %sub3A = arith.constant 1 : i32
      %sub3A_24 = arith.subi %div3A, %sub3A : i32
      %select_n3A = arith.select %and3A, %sub3A_24, %div3A : i32
      %jit3A_25 = arith.constant 2 : i32
      %eq3A = arith.constant 0 : i32
      %eq3A_26 = arith.cmpi eq, %jit3A_25, %eq3A : i32
      %jit3A_27 = arith.constant 1 : i32
      %select_n3A_28 = arith.select %eq3A_26, %jit3A_27, %jit3A_25 : i32
      %rem3A_29 = arith.remsi %scan3A_8, %select_n3A_28 : i32
      %ne3A_30 = arith.constant 0 : i32
      %ne3A_31 = arith.cmpi ne, %rem3A_29, %ne3A_30 : i32
      %lt3A = arith.constant 0 : i32
      %lt3A_32 = arith.cmpi slt, %rem3A_29, %lt3A : i32
      %lt3A_33 = arith.constant 0 : i32
      %lt3A_34 = arith.cmpi slt, %select_n3A_28, %lt3A_33 : i32
      %ne3A_35 = arith.xori %lt3A_32, %lt3A_34 : i1
      %and3A_36 = arith.andi %ne3A_35, %ne3A_31 : i1
      %add3A = arith.addi %rem3A_29, %select_n3A_28 : i32
      %select_n3A_37 = arith.select %and3A_36, %add3A, %rem3A_29 : i32
      %mul3A = arith.constant 1024 : i32
      %mul3A_38 = arith.muli %select_n3A_37, %mul3A : i32
      %mul3A_39 = arith.constant 512 : i32
      %mul3A_40 = arith.muli %arg0, %mul3A_39 : i32
      %add3A_41 = arith.addi %mul3A_38, %mul3A_40 : i32
      %mul3A_42 = arith.constant 65536 : i32
      %mul3A_43 = arith.muli %arg1, %mul3A_42 : i32
      %mul3A_44 = arith.constant 65536 : i32
      %mul3A_45 = arith.muli %arg1, %mul3A_44 : i32
      %dma_start3A = tpu.memref_slice %arg15[%mul3A_45] : memref<1048576xf32, #tpu.memory_space<vmem_shared>> -> memref<65536xf32, #tpu.memory_space<vmem_shared>>
      %dma_start3A_46 = tpu.memref_slice %arg5[%mul3A_43] : memref<1048576xf32, #tpu.memory_space<hbm>> -> memref<65536xf32, #tpu.memory_space<hbm>>
      tpu.enqueue_dma source(%dma_start3A_46 : memref<65536xf32, #tpu.memory_space<hbm>>) target(%dma_start3A : memref<65536xf32, #tpu.memory_space<vmem_shared>>) target_semaphore(%arg13 : memref<!tpu.dma_semaphore, #tpu.memory_space<semaphore_mem>>)
      %mul3A_47 = arith.constant 4096 : i32
      %mul3A_48 = arith.muli %arg1, %mul3A_47 : i32
      %dma_start3A_49 = tpu.memref_slice %arg2[%select_n3A, %mul3A_48] : memref<5x65536xi32, #tpu.memory_space<hbm>> -> memref<1x4096xi32, #tpu.memory_space<hbm>>
      %dma_start3A_50 = tpu.memref_squeeze %dma_start3A_49 : memref<1x4096xi32, #tpu.memory_space<hbm>> -> memref<4096xi32, #tpu.memory_space<hbm>>
      %dma_start3A_51 = tpu.memref_slice %arg2[%select_n3A, %mul3A_48] : memref<5x65536xi32, #tpu.memory_space<hbm>> -> memref<1x4096xi32, #tpu.memory_space<hbm>>
      %dma_start3A_52 = tpu.memref_squeeze %dma_start3A_51 : memref<1x4096xi32, #tpu.memory_space<hbm>> -> memref<4096xi32, #tpu.memory_space<hbm>>
      tpu.enqueue_dma source(%dma_start3A_52 : memref<4096xi32, #tpu.memory_space<hbm>>) target(%arg7 : memref<4096xi32, #tpu.memory_space<vmem>>) target_semaphore(%arg12 : memref<!tpu.dma_semaphore, #tpu.memory_space<semaphore_mem>>)
      %mul3A_53 = arith.constant 4096 : i32
      %mul3A_54 = arith.muli %arg1, %mul3A_53 : i32
      %dma_start3A_55 = tpu.memref_slice %arg3[%select_n3A, %mul3A_54] : memref<5x65536xi32, #tpu.memory_space<hbm>> -> memref<1x4096xi32, #tpu.memory_space<hbm>>
      %dma_start3A_56 = tpu.memref_squeeze %dma_start3A_55 : memref<1x4096xi32, #tpu.memory_space<hbm>> -> memref<4096xi32, #tpu.memory_space<hbm>>
      %dma_start3A_57 = tpu.memref_slice %arg3[%select_n3A, %mul3A_54] : memref<5x65536xi32, #tpu.memory_space<hbm>> -> memref<1x4096xi32, #tpu.memory_space<hbm>>
      %dma_start3A_58 = tpu.memref_squeeze %dma_start3A_57 : memref<1x4096xi32, #tpu.memory_space<hbm>> -> memref<4096xi32, #tpu.memory_space<hbm>>
      tpu.enqueue_dma source(%dma_start3A_58 : memref<4096xi32, #tpu.memory_space<hbm>>) target(%arg8 : memref<4096xi32, #tpu.memory_space<vmem>>) target_semaphore(%arg12 : memref<!tpu.dma_semaphore, #tpu.memory_space<semaphore_mem>>)
      %mul3A_59 = arith.constant 4096 : i32
      %mul3A_60 = arith.muli %arg1, %mul3A_59 : i32
      %dma_start3A_61 = tpu.memref_slice %arg4[%select_n3A, %mul3A_60] : memref<5x65536xf32, #tpu.memory_space<hbm>> -> memref<1x4096xf32, #tpu.memory_space<hbm>>
      %dma_start3A_62 = tpu.memref_squeeze %dma_start3A_61 : memref<1x4096xf32, #tpu.memory_space<hbm>> -> memref<4096xf32, #tpu.memory_space<hbm>>
      %dma_start3A_63 = tpu.memref_slice %arg4[%select_n3A, %mul3A_60] : memref<5x65536xf32, #tpu.memory_space<hbm>> -> memref<1x4096xf32, #tpu.memory_space<hbm>>
      %dma_start3A_64 = tpu.memref_squeeze %dma_start3A_63 : memref<1x4096xf32, #tpu.memory_space<hbm>> -> memref<4096xf32, #tpu.memory_space<hbm>>
      tpu.enqueue_dma source(%dma_start3A_64 : memref<4096xf32, #tpu.memory_space<hbm>>) target(%arg9 : memref<4096xf32, #tpu.memory_space<vmem>>) target_semaphore(%arg12 : memref<!tpu.dma_semaphore, #tpu.memory_space<semaphore_mem>>)
      %dma_wait3A = tpu.memref_slice %arg2[%select_n3A, %mul3A_48] : memref<5x65536xi32, #tpu.memory_space<hbm>> -> memref<1x4096xi32, #tpu.memory_space<hbm>>
      %dma_wait3A_65 = tpu.memref_squeeze %dma_wait3A : memref<1x4096xi32, #tpu.memory_space<hbm>> -> memref<4096xi32, #tpu.memory_space<hbm>>
      %dma_wait3A_66 = tpu.memref_slice %arg2[%select_n3A, %mul3A_48] : memref<5x65536xi32, #tpu.memory_space<hbm>> -> memref<1x4096xi32, #tpu.memory_space<hbm>>
      %dma_wait3A_67 = tpu.memref_squeeze %dma_wait3A_66 : memref<1x4096xi32, #tpu.memory_space<hbm>> -> memref<4096xi32, #tpu.memory_space<hbm>>
      tpu.wait_dma2 semaphore(%arg12 : memref<!tpu.dma_semaphore, #tpu.memory_space<semaphore_mem>>) src(%dma_wait3A_67 : memref<4096xi32, #tpu.memory_space<hbm>>) dst(%arg7 : memref<4096xi32, #tpu.memory_space<vmem>>)
      %dma_wait3A_68 = tpu.memref_slice %arg3[%select_n3A, %mul3A_54] : memref<5x65536xi32, #tpu.memory_space<hbm>> -> memref<1x4096xi32, #tpu.memory_space<hbm>>
      %dma_wait3A_69 = tpu.memref_squeeze %dma_wait3A_68 : memref<1x4096xi32, #tpu.memory_space<hbm>> -> memref<4096xi32, #tpu.memory_space<hbm>>
      %dma_wait3A_70 = tpu.memref_slice %arg3[%select_n3A, %mul3A_54] : memref<5x65536xi32, #tpu.memory_space<hbm>> -> memref<1x4096xi32, #tpu.memory_space<hbm>>
      %dma_wait3A_71 = tpu.memref_squeeze %dma_wait3A_70 : memref<1x4096xi32, #tpu.memory_space<hbm>> -> memref<4096xi32, #tpu.memory_space<hbm>>
      tpu.wait_dma2 semaphore(%arg12 : memref<!tpu.dma_semaphore, #tpu.memory_space<semaphore_mem>>) src(%dma_wait3A_71 : memref<4096xi32, #tpu.memory_space<hbm>>) dst(%arg8 : memref<4096xi32, #tpu.memory_space<vmem>>)
      %dma_wait3A_72 = tpu.memref_slice %arg4[%select_n3A, %mul3A_60] : memref<5x65536xf32, #tpu.memory_space<hbm>> -> memref<1x4096xf32, #tpu.memory_space<hbm>>
      %dma_wait3A_73 = tpu.memref_squeeze %dma_wait3A_72 : memref<1x4096xf32, #tpu.memory_space<hbm>> -> memref<4096xf32, #tpu.memory_space<hbm>>
      %dma_wait3A_74 = tpu.memref_slice %arg4[%select_n3A, %mul3A_60] : memref<5x65536xf32, #tpu.memory_space<hbm>> -> memref<1x4096xf32, #tpu.memory_space<hbm>>
      %dma_wait3A_75 = tpu.memref_squeeze %dma_wait3A_74 : memref<1x4096xf32, #tpu.memory_space<hbm>> -> memref<4096xf32, #tpu.memory_space<hbm>>
      tpu.wait_dma2 semaphore(%arg12 : memref<!tpu.dma_semaphore, #tpu.memory_space<semaphore_mem>>) src(%dma_wait3A_75 : memref<4096xf32, #tpu.memory_space<hbm>>) dst(%arg9 : memref<4096xf32, #tpu.memory_space<vmem>>)
      %scan3A_76 = arith.constant 0 : i32
      %scan3A_77 = arith.constant 0 : i32
      %scan3A_78 = arith.constant 288 : i32
      %scan3A_79 = arith.addi %scan3A_77, %scan3A_78 : i32
      %scan3A_80 = arith.constant 1 : i32
      scf.for %scan3A_260 = %scan3A_77 to %scan3A_79 step %scan3A_80  : i32 {
        %mul3A_261 = arith.constant 16 : i32
        %mul3A_262 = arith.muli %scan3A_260, %mul3A_261 : i32
        %swap3A = arith.index_cast %mul3A_262 : i32 to index
        %swap3A_263 = tpu.vector_load %arg10[%swap3A] {strides = array<i32>} : memref<4608xi32, #tpu.memory_space<vmem>>, vector<16xi32>,
        tpu.vector_store %arg10[%swap3A], %broadcast_in_dim3A_2 {strides = array<i32>} : memref<4608xi32, #tpu.memory_space<vmem>>, vector<16xi32>,
        %mul3A_264 = arith.constant 16 : i32
        %mul3A_265 = arith.muli %scan3A_260, %mul3A_264 : i32
        %swap3A_266 = arith.index_cast %mul3A_265 : i32 to index
        %swap3A_267 = tpu.vector_load %arg11[%swap3A_266] {strides = array<i32>} : memref<4608xf32, #tpu.memory_space<vmem>>, vector<16xf32>,
        tpu.vector_store %arg11[%swap3A_266], %broadcast_in_dim3A_0 {strides = array<i32>} : memref<4608xf32, #tpu.memory_space<vmem>>, vector<16xf32>,
      }
      %scan3A_81 = arith.constant 288 : i32
      %broadcast_in_dim3A_82 = arith.constant 0 : i32
      %broadcast_in_dim3A_83 = vector.broadcast %broadcast_in_dim3A_82 : i32 to vector<16xi32>
      %scan3A_84 = arith.constant 0 : i32
      %scan3A_85 = arith.constant 256 : i32
      %scan3A_86 = arith.addi %scan3A_84, %scan3A_85 : i32
      %scan3A_87 = arith.constant 1 : i32
      %scan3A_88 = scf.for %scan3A_260 = %scan3A_84 to %scan3A_86 step %scan3A_87 iter_args(%scan3A_261 = %broadcast_in_dim3A_83) -> (vector<16xi32>)  : i32 {
        %mul3A_262 = arith.constant 16 : i32
        %mul3A_263 = arith.muli %scan3A_260, %mul3A_262 : i32
        %get3A = arith.index_cast %mul3A_263 : i32 to index
        %get3A_264 = tpu.vector_load %arg7[%get3A] {strides = array<i32>} : memref<4096xi32, #tpu.memory_space<vmem>>, vector<16xi32>,
        %mul3A_265 = arith.constant 16 : i32
        %mul3A_266 = arith.muli %scan3A_260, %mul3A_265 : i32
        %get3A_267 = arith.index_cast %mul3A_266 : i32 to index
        %get3A_268 = tpu.vector_load %arg8[%get3A_267] {strides = array<i32>} : memref<4096xi32, #tpu.memory_space<vmem>>, vector<16xi32>,
        %mul3A_269 = arith.constant 16 : i32
        %mul3A_270 = arith.muli %scan3A_260, %mul3A_269 : i32
        %get3A_271 = arith.index_cast %mul3A_270 : i32 to index
        %get3A_272 = tpu.vector_load %arg9[%get3A_271] {strides = array<i32>} : memref<4096xf32, #tpu.memory_space<vmem>>, vector<16xf32>,
        %ge3A = vector.broadcast %add3A_41 : i32 to vector<16xi32>
        %ge3A_273 = arith.cmpi sge, %get3A_264, %ge3A : vector<16xi32>
        %add3A_274 = arith.constant 512 : i32
        %add3A_275 = arith.addi %add3A_41, %add3A_274 : i32
        %lt3A_276 = vector.broadcast %add3A_275 : i32 to vector<16xi32>
        %lt3A_277 = arith.cmpi slt, %get3A_264, %lt3A_276 : vector<16xi32>
        %and3A_278 = arith.andi %ge3A_273, %lt3A_277 : vector<16xi1>
        %jit3A_279 = arith.constant 1 : i32
        %jit3A_280 = arith.constant 0 : i32
        %broadcast_in_dim3A_281 = vector.broadcast %jit3A_279 : i32 to vector<16xi32>
        %broadcast_in_dim3A_282 = vector.broadcast %jit3A_280 : i32 to vector<16xi32>
        %select_n3A_283 = arith.select %and3A_278, %broadcast_in_dim3A_281, %broadcast_in_dim3A_282 : vector<16xi1>, vector<16xi32>
        %broadcast_in_dim3A_284 = arith.constant true
        %broadcast_in_dim3A_285 = vector.broadcast %broadcast_in_dim3A_284 : i1 to vector<16xi1>
        %masked_cumsum3A = tpu.scan <sum>, %select_n3A_283 masked %broadcast_in_dim3A_285 : vector<16xi32>, vector<16xi1> -> vector<16xi32>
        %add3A_286 = arith.addi %scan3A_261, %masked_cumsum3A : vector<16xi32>
        %sub3A_287 = arith.constant 1 : i32
        %sub3A_288 = vector.broadcast %sub3A_287 : i32 to vector<16xi32>
        %sub3A_289 = arith.subi %add3A_286, %sub3A_288 : vector<16xi32>
        %jit3A_290 = arith.constant 4592 : i32
        %broadcast_in_dim3A_291 = vector.broadcast %jit3A_290 : i32 to vector<16xi32>
        %select_n3A_292 = arith.select %and3A_278, %sub3A_289, %broadcast_in_dim3A_291 : vector<16xi1>, vector<16xi32>
        %sub3A_293 = vector.broadcast %add3A_41 : i32 to vector<16xi32>
        %sub3A_294 = arith.subi %get3A_264, %sub3A_293 : vector<16xi32>
        %mul3A_295 = arith.constant 2048 : i32
        %mul3A_296 = vector.broadcast %mul3A_295 : i32 to vector<16xi32>
        %mul3A_297 = arith.muli %sub3A_294, %mul3A_296 : vector<16xi32>
        %add3A_298 = arith.addi %mul3A_297, %get3A_268 : vector<16xi32>
        %jit3A_299 = arith.constant 0 : i32
        %broadcast_in_dim3A_300 = vector.broadcast %jit3A_299 : i32 to vector<16xi32>
        %select_n3A_301 = arith.select %and3A_278, %add3A_298, %broadcast_in_dim3A_300 : vector<16xi1>, vector<16xi32>
        %jit3A_302 = arith.constant 0.000000e+00 : f32
        %broadcast_in_dim3A_303 = vector.broadcast %jit3A_302 : f32 to vector<16xf32>
        %select_n3A_304 = arith.select %and3A_278, %get3A_272, %broadcast_in_dim3A_303 : vector<16xi1>, vector<16xf32>
        tpu.vector_store_idx %arg10[%select_n3A_292], %select_n3A_301 : memref<4608xi32, #tpu.memory_space<vmem>>[vector<16xi32>], vector<16xi32>,
        tpu.vector_store_idx %arg11[%select_n3A_292], %select_n3A_304 : memref<4608xf32, #tpu.memory_space<vmem>>[vector<16xi32>], vector<16xf32>,
        %all_reduce_population_count3A = tpu.all_reduce %and3A_278 {dim = 0 : i64, kind = #tpu.reduction_kind<sum>} : vector<16xi1> -> vector<16xi32>
        %add3A_305 = arith.addi %scan3A_261, %all_reduce_population_count3A : vector<16xi32>
        scf.yield %add3A_305 : vector<16xi32>
      }
      %scan3A_89 = arith.constant 256 : i32
      %slice3A = vector.extract_strided_slice %scan3A_88 {offsets = [0], sizes = [1], strides = [1]} : vector<16xi32> to vector<1xi32>
      %squeeze3A = vector.extract %slice3A[0] : i32 from vector<1xi32>
      %dma_wait3A_90 = tpu.memref_slice %arg15[%mul3A_45] : memref<1048576xf32, #tpu.memory_space<vmem_shared>> -> memref<65536xf32, #tpu.memory_space<vmem_shared>>
      %dma_wait3A_91 = tpu.memref_slice %arg5[%mul3A_43] : memref<1048576xf32, #tpu.memory_space<hbm>> -> memref<65536xf32, #tpu.memory_space<hbm>>
      tpu.wait_dma2 semaphore(%arg13 : memref<!tpu.dma_semaphore, #tpu.memory_space<semaphore_mem>>) src(%dma_wait3A_91 : memref<65536xf32, #tpu.memory_space<hbm>>) dst(%dma_wait3A_90 : memref<65536xf32, #tpu.memory_space<vmem_shared>>)
      %barrier3A = arith.constant 0 : index
      tpu.barrier barrier_id(%barrier3A)
      %gt3A = arith.constant 0 : i32
      %gt3A_92 = arith.cmpi sgt, %squeeze3A, %gt3A : i32
      %convert_element_type3A = arith.extui %gt3A_92 : i1 to i32
      %cond3A = arith.constant 0 : i32
      %cond3A_93 = arith.cmpi ne, %convert_element_type3A, %cond3A : i32
      scf.if %cond3A_93 {
        %dma_start3A_260 = arith.constant 0 : i32
        %dma_start3A_261 = tpu.memref_slice %arg11[%dma_start3A_260] : memref<4608xf32, #tpu.memory_space<vmem>> -> memref<256xf32, #tpu.memory_space<vmem>>
        %dma_start3A_262 = arith.constant 0 : i32
        %dma_start3A_263 = tpu.memref_slice %arg10[%dma_start3A_262] : memref<4608xi32, #tpu.memory_space<vmem>> -> memref<256xi32, #tpu.memory_space<vmem>>
        %dma_start3A_264 = arith.constant 0 : i32
        %dma_start3A_265 = tpu.memref_slice %arg15[%dma_start3A_264] : memref<1048576xf32, #tpu.memory_space<vmem_shared>> -> memref<1048576xf32, #tpu.memory_space<vmem_shared>>
        tpu.enqueue_indirect_dma source(%dma_start3A_261 : memref<256xf32, #tpu.memory_space<vmem>>) target(%dma_start3A_265 : memref<1048576xf32, #tpu.memory_space<vmem_shared>>) offsets(%dma_start3A_263 : memref<256xi32, #tpu.memory_space<vmem>>) semaphore(%arg14 : memref<!tpu.dma_semaphore, #tpu.memory_space<semaphore_mem>>) {add = true}
      } else {
      }
      %gt3A_94 = arith.constant 256 : i32
      %gt3A_95 = arith.cmpi sgt, %squeeze3A, %gt3A_94 : i32
      %convert_element_type3A_96 = arith.extui %gt3A_95 : i1 to i32
      %cond3A_97 = arith.constant 0 : i32
      %cond3A_98 = arith.cmpi ne, %convert_element_type3A_96, %cond3A_97 : i32
      scf.if %cond3A_98 {
        %dma_start3A_260 = arith.constant 256 : i32
        %dma_start3A_261 = tpu.memref_slice %arg11[%dma_start3A_260] : memref<4608xf32, #tpu.memory_space<vmem>> -> memref<256xf32, #tpu.memory_space<vmem>>
        %dma_start3A_262 = arith.constant 256 : i32
        %dma_start3A_263 = tpu.memref_slice %arg10[%dma_start3A_262] : memref<4608xi32, #tpu.memory_space<vmem>> -> memref<256xi32, #tpu.memory_space<vmem>>
        %dma_start3A_264 = arith.constant 0 : i32
        %dma_start3A_265 = tpu.memref_slice %arg15[%dma_start3A_264] : memref<1048576xf32, #tpu.memory_space<vmem_shared>> -> memref<1048576xf32, #tpu.memory_space<vmem_shared>>
        tpu.enqueue_indirect_dma source(%dma_start3A_261 : memref<256xf32, #tpu.memory_space<vmem>>) target(%dma_start3A_265 : memref<1048576xf32, #tpu.memory_space<vmem_shared>>) offsets(%dma_start3A_263 : memref<256xi32, #tpu.memory_space<vmem>>) semaphore(%arg14 : memref<!tpu.dma_semaphore, #tpu.memory_space<semaphore_mem>>) {add = true}
      } else {
      }
      %gt3A_99 = arith.constant 512 : i32
      %gt3A_100 = arith.cmpi sgt, %squeeze3A, %gt3A_99 : i32
      %convert_element_type3A_101 = arith.extui %gt3A_100 : i1 to i32
      %cond3A_102 = arith.constant 0 : i32
      %cond3A_103 = arith.cmpi ne, %convert_element_type3A_101, %cond3A_102 : i32
      scf.if %cond3A_103 {
        %dma_start3A_260 = arith.constant 512 : i32
        %dma_start3A_261 = tpu.memref_slice %arg11[%dma_start3A_260] : memref<4608xf32, #tpu.memory_space<vmem>> -> memref<256xf32, #tpu.memory_space<vmem>>
        %dma_start3A_262 = arith.constant 512 : i32
        %dma_start3A_263 = tpu.memref_slice %arg10[%dma_start3A_262] : memref<4608xi32, #tpu.memory_space<vmem>> -> memref<256xi32, #tpu.memory_space<vmem>>
        %dma_start3A_264 = arith.constant 0 : i32
        %dma_start3A_265 = tpu.memref_slice %arg15[%dma_start3A_264] : memref<1048576xf32, #tpu.memory_space<vmem_shared>> -> memref<1048576xf32, #tpu.memory_space<vmem_shared>>
        tpu.enqueue_indirect_dma source(%dma_start3A_261 : memref<256xf32, #tpu.memory_space<vmem>>) target(%dma_start3A_265 : memref<1048576xf32, #tpu.memory_space<vmem_shared>>) offsets(%dma_start3A_263 : memref<256xi32, #tpu.memory_space<vmem>>) semaphore(%arg14 : memref<!tpu.dma_semaphore, #tpu.memory_space<semaphore_mem>>) {add = true}
      } else {
      }
      %gt3A_104 = arith.constant 768 : i32
      %gt3A_105 = arith.cmpi sgt, %squeeze3A, %gt3A_104 : i32
      %convert_element_type3A_106 = arith.extui %gt3A_105 : i1 to i32
      %cond3A_107 = arith.constant 0 : i32
      %cond3A_108 = arith.cmpi ne, %convert_element_type3A_106, %cond3A_107 : i32
      scf.if %cond3A_108 {
        %dma_start3A_260 = arith.constant 768 : i32
        %dma_start3A_261 = tpu.memref_slice %arg11[%dma_start3A_260] : memref<4608xf32, #tpu.memory_space<vmem>> -> memref<256xf32, #tpu.memory_space<vmem>>
        %dma_start3A_262 = arith.constant 768 : i32
        %dma_start3A_263 = tpu.memref_slice %arg10[%dma_start3A_262] : memref<4608xi32, #tpu.memory_space<vmem>> -> memref<256xi32, #tpu.memory_space<vmem>>
        %dma_start3A_264 = arith.constant 0 : i32
        %dma_start3A_265 = tpu.memref_slice %arg15[%dma_start3A_264] : memref<1048576xf32, #tpu.memory_space<vmem_shared>> -> memref<1048576xf32, #tpu.memory_space<vmem_shared>>
        tpu.enqueue_indirect_dma source(%dma_start3A_261 : memref<256xf32, #tpu.memory_space<vmem>>) target(%dma_start3A_265 : memref<1048576xf32, #tpu.memory_space<vmem_shared>>) offsets(%dma_start3A_263 : memref<256xi32, #tpu.memory_space<vmem>>) semaphore(%arg14 : memref<!tpu.dma_semaphore, #tpu.memory_space<semaphore_mem>>) {add = true}
      } else {
      }
      %gt3A_109 = arith.constant 1024 : i32
      %gt3A_110 = arith.cmpi sgt, %squeeze3A, %gt3A_109 : i32
      %convert_element_type3A_111 = arith.extui %gt3A_110 : i1 to i32
      %cond3A_112 = arith.constant 0 : i32
      %cond3A_113 = arith.cmpi ne, %convert_element_type3A_111, %cond3A_112 : i32
      scf.if %cond3A_113 {
        %dma_start3A_260 = arith.constant 1024 : i32
        %dma_start3A_261 = tpu.memref_slice %arg11[%dma_start3A_260] : memref<4608xf32, #tpu.memory_space<vmem>> -> memref<256xf32, #tpu.memory_space<vmem>>
        %dma_start3A_262 = arith.constant 1024 : i32
        %dma_start3A_263 = tpu.memref_slice %arg10[%dma_start3A_262] : memref<4608xi32, #tpu.memory_space<vmem>> -> memref<256xi32, #tpu.memory_space<vmem>>
        %dma_start3A_264 = arith.constant 0 : i32
        %dma_start3A_265 = tpu.memref_slice %arg15[%dma_start3A_264] : memref<1048576xf32, #tpu.memory_space<vmem_shared>> -> memref<1048576xf32, #tpu.memory_space<vmem_shared>>
        tpu.enqueue_indirect_dma source(%dma_start3A_261 : memref<256xf32, #tpu.memory_space<vmem>>) target(%dma_start3A_265 : memref<1048576xf32, #tpu.memory_space<vmem_shared>>) offsets(%dma_start3A_263 : memref<256xi32, #tpu.memory_space<vmem>>) semaphore(%arg14 : memref<!tpu.dma_semaphore, #tpu.memory_space<semaphore_mem>>) {add = true}
      } else {
      }
      %gt3A_114 = arith.constant 1280 : i32
      %gt3A_115 = arith.cmpi sgt, %squeeze3A, %gt3A_114 : i32
      %convert_element_type3A_116 = arith.extui %gt3A_115 : i1 to i32
      %cond3A_117 = arith.constant 0 : i32
      %cond3A_118 = arith.cmpi ne, %convert_element_type3A_116, %cond3A_117 : i32
      scf.if %cond3A_118 {
        %dma_start3A_260 = arith.constant 1280 : i32
        %dma_start3A_261 = tpu.memref_slice %arg11[%dma_start3A_260] : memref<4608xf32, #tpu.memory_space<vmem>> -> memref<256xf32, #tpu.memory_space<vmem>>
        %dma_start3A_262 = arith.constant 1280 : i32
        %dma_start3A_263 = tpu.memref_slice %arg10[%dma_start3A_262] : memref<4608xi32, #tpu.memory_space<vmem>> -> memref<256xi32, #tpu.memory_space<vmem>>
        %dma_start3A_264 = arith.constant 0 : i32
        %dma_start3A_265 = tpu.memref_slice %arg15[%dma_start3A_264] : memref<1048576xf32, #tpu.memory_space<vmem_shared>> -> memref<1048576xf32, #tpu.memory_space<vmem_shared>>
        tpu.enqueue_indirect_dma source(%dma_start3A_261 : memref<256xf32, #tpu.memory_space<vmem>>) target(%dma_start3A_265 : memref<1048576xf32, #tpu.memory_space<vmem_shared>>) offsets(%dma_start3A_263 : memref<256xi32, #tpu.memory_space<vmem>>) semaphore(%arg14 : memref<!tpu.dma_semaphore, #tpu.memory_space<semaphore_mem>>) {add = true}
      } else {
      }
      %gt3A_119 = arith.constant 1536 : i32
      %gt3A_120 = arith.cmpi sgt, %squeeze3A, %gt3A_119 : i32
      %convert_element_type3A_121 = arith.extui %gt3A_120 : i1 to i32
      %cond3A_122 = arith.constant 0 : i32
      %cond3A_123 = arith.cmpi ne, %convert_element_type3A_121, %cond3A_122 : i32
      scf.if %cond3A_123 {
        %dma_start3A_260 = arith.constant 1536 : i32
        %dma_start3A_261 = tpu.memref_slice %arg11[%dma_start3A_260] : memref<4608xf32, #tpu.memory_space<vmem>> -> memref<256xf32, #tpu.memory_space<vmem>>
        %dma_start3A_262 = arith.constant 1536 : i32
        %dma_start3A_263 = tpu.memref_slice %arg10[%dma_start3A_262] : memref<4608xi32, #tpu.memory_space<vmem>> -> memref<256xi32, #tpu.memory_space<vmem>>
        %dma_start3A_264 = arith.constant 0 : i32
        %dma_start3A_265 = tpu.memref_slice %arg15[%dma_start3A_264] : memref<1048576xf32, #tpu.memory_space<vmem_shared>> -> memref<1048576xf32, #tpu.memory_space<vmem_shared>>
        tpu.enqueue_indirect_dma source(%dma_start3A_261 : memref<256xf32, #tpu.memory_space<vmem>>) target(%dma_start3A_265 : memref<1048576xf32, #tpu.memory_space<vmem_shared>>) offsets(%dma_start3A_263 : memref<256xi32, #tpu.memory_space<vmem>>) semaphore(%arg14 : memref<!tpu.dma_semaphore, #tpu.memory_space<semaphore_mem>>) {add = true}
      } else {
      }
      %gt3A_124 = arith.constant 1792 : i32
      %gt3A_125 = arith.cmpi sgt, %squeeze3A, %gt3A_124 : i32
      %convert_element_type3A_126 = arith.extui %gt3A_125 : i1 to i32
      %cond3A_127 = arith.constant 0 : i32
      %cond3A_128 = arith.cmpi ne, %convert_element_type3A_126, %cond3A_127 : i32
      scf.if %cond3A_128 {
        %dma_start3A_260 = arith.constant 1792 : i32
        %dma_start3A_261 = tpu.memref_slice %arg11[%dma_start3A_260] : memref<4608xf32, #tpu.memory_space<vmem>> -> memref<256xf32, #tpu.memory_space<vmem>>
        %dma_start3A_262 = arith.constant 1792 : i32
        %dma_start3A_263 = tpu.memref_slice %arg10[%dma_start3A_262] : memref<4608xi32, #tpu.memory_space<vmem>> -> memref<256xi32, #tpu.memory_space<vmem>>
        %dma_start3A_264 = arith.constant 0 : i32
        %dma_start3A_265 = tpu.memref_slice %arg15[%dma_start3A_264] : memref<1048576xf32, #tpu.memory_space<vmem_shared>> -> memref<1048576xf32, #tpu.memory_space<vmem_shared>>
        tpu.enqueue_indirect_dma source(%dma_start3A_261 : memref<256xf32, #tpu.memory_space<vmem>>) target(%dma_start3A_265 : memref<1048576xf32, #tpu.memory_space<vmem_shared>>) offsets(%dma_start3A_263 : memref<256xi32, #tpu.memory_space<vmem>>) semaphore(%arg14 : memref<!tpu.dma_semaphore, #tpu.memory_space<semaphore_mem>>) {add = true}
      } else {
      }
      %gt3A_129 = arith.constant 2048 : i32
      %gt3A_130 = arith.cmpi sgt, %squeeze3A, %gt3A_129 : i32
      %convert_element_type3A_131 = arith.extui %gt3A_130 : i1 to i32
      %cond3A_132 = arith.constant 0 : i32
      %cond3A_133 = arith.cmpi ne, %convert_element_type3A_131, %cond3A_132 : i32
      scf.if %cond3A_133 {
        %dma_start3A_260 = arith.constant 2048 : i32
        %dma_start3A_261 = tpu.memref_slice %arg11[%dma_start3A_260] : memref<4608xf32, #tpu.memory_space<vmem>> -> memref<256xf32, #tpu.memory_space<vmem>>
        %dma_start3A_262 = arith.constant 2048 : i32
        %dma_start3A_263 = tpu.memref_slice %arg10[%dma_start3A_262] : memref<4608xi32, #tpu.memory_space<vmem>> -> memref<256xi32, #tpu.memory_space<vmem>>
        %dma_start3A_264 = arith.constant 0 : i32
        %dma_start3A_265 = tpu.memref_slice %arg15[%dma_start3A_264] : memref<1048576xf32, #tpu.memory_space<vmem_shared>> -> memref<1048576xf32, #tpu.memory_space<vmem_shared>>
        tpu.enqueue_indirect_dma source(%dma_start3A_261 : memref<256xf32, #tpu.memory_space<vmem>>) target(%dma_start3A_265 : memref<1048576xf32, #tpu.memory_space<vmem_shared>>) offsets(%dma_start3A_263 : memref<256xi32, #tpu.memory_space<vmem>>) semaphore(%arg14 : memref<!tpu.dma_semaphore, #tpu.memory_space<semaphore_mem>>) {add = true}
      } else {
      }
      %gt3A_134 = arith.constant 2304 : i32
      %gt3A_135 = arith.cmpi sgt, %squeeze3A, %gt3A_134 : i32
      %convert_element_type3A_136 = arith.extui %gt3A_135 : i1 to i32
      %cond3A_137 = arith.constant 0 : i32
      %cond3A_138 = arith.cmpi ne, %convert_element_type3A_136, %cond3A_137 : i32
      scf.if %cond3A_138 {
        %dma_start3A_260 = arith.constant 2304 : i32
        %dma_start3A_261 = tpu.memref_slice %arg11[%dma_start3A_260] : memref<4608xf32, #tpu.memory_space<vmem>> -> memref<256xf32, #tpu.memory_space<vmem>>
        %dma_start3A_262 = arith.constant 2304 : i32
        %dma_start3A_263 = tpu.memref_slice %arg10[%dma_start3A_262] : memref<4608xi32, #tpu.memory_space<vmem>> -> memref<256xi32, #tpu.memory_space<vmem>>
        %dma_start3A_264 = arith.constant 0 : i32
        %dma_start3A_265 = tpu.memref_slice %arg15[%dma_start3A_264] : memref<1048576xf32, #tpu.memory_space<vmem_shared>> -> memref<1048576xf32, #tpu.memory_space<vmem_shared>>
        tpu.enqueue_indirect_dma source(%dma_start3A_261 : memref<256xf32, #tpu.memory_space<vmem>>) target(%dma_start3A_265 : memref<1048576xf32, #tpu.memory_space<vmem_shared>>) offsets(%dma_start3A_263 : memref<256xi32, #tpu.memory_space<vmem>>) semaphore(%arg14 : memref<!tpu.dma_semaphore, #tpu.memory_space<semaphore_mem>>) {add = true}
      } else {
      }
      %gt3A_139 = arith.constant 2560 : i32
      %gt3A_140 = arith.cmpi sgt, %squeeze3A, %gt3A_139 : i32
      %convert_element_type3A_141 = arith.extui %gt3A_140 : i1 to i32
      %cond3A_142 = arith.constant 0 : i32
      %cond3A_143 = arith.cmpi ne, %convert_element_type3A_141, %cond3A_142 : i32
      scf.if %cond3A_143 {
        %dma_start3A_260 = arith.constant 2560 : i32
        %dma_start3A_261 = tpu.memref_slice %arg11[%dma_start3A_260] : memref<4608xf32, #tpu.memory_space<vmem>> -> memref<256xf32, #tpu.memory_space<vmem>>
        %dma_start3A_262 = arith.constant 2560 : i32
        %dma_start3A_263 = tpu.memref_slice %arg10[%dma_start3A_262] : memref<4608xi32, #tpu.memory_space<vmem>> -> memref<256xi32, #tpu.memory_space<vmem>>
        %dma_start3A_264 = arith.constant 0 : i32
        %dma_start3A_265 = tpu.memref_slice %arg15[%dma_start3A_264] : memref<1048576xf32, #tpu.memory_space<vmem_shared>> -> memref<1048576xf32, #tpu.memory_space<vmem_shared>>
        tpu.enqueue_indirect_dma source(%dma_start3A_261 : memref<256xf32, #tpu.memory_space<vmem>>) target(%dma_start3A_265 : memref<1048576xf32, #tpu.memory_space<vmem_shared>>) offsets(%dma_start3A_263 : memref<256xi32, #tpu.memory_space<vmem>>) semaphore(%arg14 : memref<!tpu.dma_semaphore, #tpu.memory_space<semaphore_mem>>) {add = true}
      } else {
      }
      %gt3A_144 = arith.constant 2816 : i32
      %gt3A_145 = arith.cmpi sgt, %squeeze3A, %gt3A_144 : i32
      %convert_element_type3A_146 = arith.extui %gt3A_145 : i1 to i32
      %cond3A_147 = arith.constant 0 : i32
      %cond3A_148 = arith.cmpi ne, %convert_element_type3A_146, %cond3A_147 : i32
      scf.if %cond3A_148 {
        %dma_start3A_260 = arith.constant 2816 : i32
        %dma_start3A_261 = tpu.memref_slice %arg11[%dma_start3A_260] : memref<4608xf32, #tpu.memory_space<vmem>> -> memref<256xf32, #tpu.memory_space<vmem>>
        %dma_start3A_262 = arith.constant 2816 : i32
        %dma_start3A_263 = tpu.memref_slice %arg10[%dma_start3A_262] : memref<4608xi32, #tpu.memory_space<vmem>> -> memref<256xi32, #tpu.memory_space<vmem>>
        %dma_start3A_264 = arith.constant 0 : i32
        %dma_start3A_265 = tpu.memref_slice %arg15[%dma_start3A_264] : memref<1048576xf32, #tpu.memory_space<vmem_shared>> -> memref<1048576xf32, #tpu.memory_space<vmem_shared>>
        tpu.enqueue_indirect_dma source(%dma_start3A_261 : memref<256xf32, #tpu.memory_space<vmem>>) target(%dma_start3A_265 : memref<1048576xf32, #tpu.memory_space<vmem_shared>>) offsets(%dma_start3A_263 : memref<256xi32, #tpu.memory_space<vmem>>) semaphore(%arg14 : memref<!tpu.dma_semaphore, #tpu.memory_space<semaphore_mem>>) {add = true}
      } else {
      }
      %gt3A_149 = arith.constant 3072 : i32
      %gt3A_150 = arith.cmpi sgt, %squeeze3A, %gt3A_149 : i32
      %convert_element_type3A_151 = arith.extui %gt3A_150 : i1 to i32
      %cond3A_152 = arith.constant 0 : i32
      %cond3A_153 = arith.cmpi ne, %convert_element_type3A_151, %cond3A_152 : i32
      scf.if %cond3A_153 {
        %dma_start3A_260 = arith.constant 3072 : i32
        %dma_start3A_261 = tpu.memref_slice %arg11[%dma_start3A_260] : memref<4608xf32, #tpu.memory_space<vmem>> -> memref<256xf32, #tpu.memory_space<vmem>>
        %dma_start3A_262 = arith.constant 3072 : i32
        %dma_start3A_263 = tpu.memref_slice %arg10[%dma_start3A_262] : memref<4608xi32, #tpu.memory_space<vmem>> -> memref<256xi32, #tpu.memory_space<vmem>>
        %dma_start3A_264 = arith.constant 0 : i32
        %dma_start3A_265 = tpu.memref_slice %arg15[%dma_start3A_264] : memref<1048576xf32, #tpu.memory_space<vmem_shared>> -> memref<1048576xf32, #tpu.memory_space<vmem_shared>>
        tpu.enqueue_indirect_dma source(%dma_start3A_261 : memref<256xf32, #tpu.memory_space<vmem>>) target(%dma_start3A_265 : memref<1048576xf32, #tpu.memory_space<vmem_shared>>) offsets(%dma_start3A_263 : memref<256xi32, #tpu.memory_space<vmem>>) semaphore(%arg14 : memref<!tpu.dma_semaphore, #tpu.memory_space<semaphore_mem>>) {add = true}
      } else {
      }
      %gt3A_154 = arith.constant 3328 : i32
      %gt3A_155 = arith.cmpi sgt, %squeeze3A, %gt3A_154 : i32
      %convert_element_type3A_156 = arith.extui %gt3A_155 : i1 to i32
      %cond3A_157 = arith.constant 0 : i32
      %cond3A_158 = arith.cmpi ne, %convert_element_type3A_156, %cond3A_157 : i32
      scf.if %cond3A_158 {
        %dma_start3A_260 = arith.constant 3328 : i32
        %dma_start3A_261 = tpu.memref_slice %arg11[%dma_start3A_260] : memref<4608xf32, #tpu.memory_space<vmem>> -> memref<256xf32, #tpu.memory_space<vmem>>
        %dma_start3A_262 = arith.constant 3328 : i32
        %dma_start3A_263 = tpu.memref_slice %arg10[%dma_start3A_262] : memref<4608xi32, #tpu.memory_space<vmem>> -> memref<256xi32, #tpu.memory_space<vmem>>
        %dma_start3A_264 = arith.constant 0 : i32
        %dma_start3A_265 = tpu.memref_slice %arg15[%dma_start3A_264] : memref<1048576xf32, #tpu.memory_space<vmem_shared>> -> memref<1048576xf32, #tpu.memory_space<vmem_shared>>
        tpu.enqueue_indirect_dma source(%dma_start3A_261 : memref<256xf32, #tpu.memory_space<vmem>>) target(%dma_start3A_265 : memref<1048576xf32, #tpu.memory_space<vmem_shared>>) offsets(%dma_start3A_263 : memref<256xi32, #tpu.memory_space<vmem>>) semaphore(%arg14 : memref<!tpu.dma_semaphore, #tpu.memory_space<semaphore_mem>>) {add = true}
      } else {
      }
      %gt3A_159 = arith.constant 3584 : i32
      %gt3A_160 = arith.cmpi sgt, %squeeze3A, %gt3A_159 : i32
      %convert_element_type3A_161 = arith.extui %gt3A_160 : i1 to i32
      %cond3A_162 = arith.constant 0 : i32
      %cond3A_163 = arith.cmpi ne, %convert_element_type3A_161, %cond3A_162 : i32
      scf.if %cond3A_163 {
        %dma_start3A_260 = arith.constant 3584 : i32
        %dma_start3A_261 = tpu.memref_slice %arg11[%dma_start3A_260] : memref<4608xf32, #tpu.memory_space<vmem>> -> memref<256xf32, #tpu.memory_space<vmem>>
        %dma_start3A_262 = arith.constant 3584 : i32
        %dma_start3A_263 = tpu.memref_slice %arg10[%dma_start3A_262] : memref<4608xi32, #tpu.memory_space<vmem>> -> memref<256xi32, #tpu.memory_space<vmem>>
        %dma_start3A_264 = arith.constant 0 : i32
        %dma_start3A_265 = tpu.memref_slice %arg15[%dma_start3A_264] : memref<1048576xf32, #tpu.memory_space<vmem_shared>> -> memref<1048576xf32, #tpu.memory_space<vmem_shared>>
        tpu.enqueue_indirect_dma source(%dma_start3A_261 : memref<256xf32, #tpu.memory_space<vmem>>) target(%dma_start3A_265 : memref<1048576xf32, #tpu.memory_space<vmem_shared>>) offsets(%dma_start3A_263 : memref<256xi32, #tpu.memory_space<vmem>>) semaphore(%arg14 : memref<!tpu.dma_semaphore, #tpu.memory_space<semaphore_mem>>) {add = true}
      } else {
      }
      %gt3A_164 = arith.constant 3840 : i32
      %gt3A_165 = arith.cmpi sgt, %squeeze3A, %gt3A_164 : i32
      %convert_element_type3A_166 = arith.extui %gt3A_165 : i1 to i32
      %cond3A_167 = arith.constant 0 : i32
      %cond3A_168 = arith.cmpi ne, %convert_element_type3A_166, %cond3A_167 : i32
      scf.if %cond3A_168 {
        %dma_start3A_260 = arith.constant 3840 : i32
        %dma_start3A_261 = tpu.memref_slice %arg11[%dma_start3A_260] : memref<4608xf32, #tpu.memory_space<vmem>> -> memref<256xf32, #tpu.memory_space<vmem>>
        %dma_start3A_262 = arith.constant 3840 : i32
        %dma_start3A_263 = tpu.memref_slice %arg10[%dma_start3A_262] : memref<4608xi32, #tpu.memory_space<vmem>> -> memref<256xi32, #tpu.memory_space<vmem>>
        %dma_start3A_264 = arith.constant 0 : i32
        %dma_start3A_265 = tpu.memref_slice %arg15[%dma_start3A_264] : memref<1048576xf32, #tpu.memory_space<vmem_shared>> -> memref<1048576xf32, #tpu.memory_space<vmem_shared>>
        tpu.enqueue_indirect_dma source(%dma_start3A_261 : memref<256xf32, #tpu.memory_space<vmem>>) target(%dma_start3A_265 : memref<1048576xf32, #tpu.memory_space<vmem_shared>>) offsets(%dma_start3A_263 : memref<256xi32, #tpu.memory_space<vmem>>) semaphore(%arg14 : memref<!tpu.dma_semaphore, #tpu.memory_space<semaphore_mem>>) {add = true}
      } else {
      }
      %gt3A_169 = arith.constant 0 : i32
      %gt3A_170 = arith.cmpi sgt, %squeeze3A, %gt3A_169 : i32
      %convert_element_type3A_171 = arith.extui %gt3A_170 : i1 to i32
      %cond3A_172 = arith.constant 0 : i32
      %cond3A_173 = arith.cmpi ne, %convert_element_type3A_171, %cond3A_172 : i32
      scf.if %cond3A_173 {
        %dma_wait3A_260 = arith.constant 0 : i32
        %dma_wait3A_261 = tpu.memref_slice %arg11[%dma_wait3A_260] : memref<4608xf32, #tpu.memory_space<vmem>> -> memref<256xf32, #tpu.memory_space<vmem>>
        %dma_wait3A_262 = arith.constant 0 : i32
        %dma_wait3A_263 = tpu.memref_slice %arg10[%dma_wait3A_262] : memref<4608xi32, #tpu.memory_space<vmem>> -> memref<256xi32, #tpu.memory_space<vmem>>
        %dma_wait3A_264 = arith.constant 0 : i32
        %dma_wait3A_265 = tpu.memref_slice %arg15[%dma_wait3A_264] : memref<1048576xf32, #tpu.memory_space<vmem_shared>> -> memref<1048576xf32, #tpu.memory_space<vmem_shared>>
        tpu.wait_indirect_dma semaphore(%arg14 : memref<!tpu.dma_semaphore, #tpu.memory_space<semaphore_mem>>) src(%dma_wait3A_261 : memref<256xf32, #tpu.memory_space<vmem>>) dst(%dma_wait3A_265 : memref<1048576xf32, #tpu.memory_space<vmem_shared>>)
      } else {
      }
      %gt3A_174 = arith.constant 256 : i32
      %gt3A_175 = arith.cmpi sgt, %squeeze3A, %gt3A_174 : i32
      %convert_element_type3A_176 = arith.extui %gt3A_175 : i1 to i32
      %cond3A_177 = arith.constant 0 : i32
      %cond3A_178 = arith.cmpi ne, %convert_element_type3A_176, %cond3A_177 : i32
      scf.if %cond3A_178 {
        %dma_wait3A_260 = arith.constant 256 : i32
        %dma_wait3A_261 = tpu.memref_slice %arg11[%dma_wait3A_260] : memref<4608xf32, #tpu.memory_space<vmem>> -> memref<256xf32, #tpu.memory_space<vmem>>
        %dma_wait3A_262 = arith.constant 256 : i32
        %dma_wait3A_263 = tpu.memref_slice %arg10[%dma_wait3A_262] : memref<4608xi32, #tpu.memory_space<vmem>> -> memref<256xi32, #tpu.memory_space<vmem>>
        %dma_wait3A_264 = arith.constant 0 : i32
        %dma_wait3A_265 = tpu.memref_slice %arg15[%dma_wait3A_264] : memref<1048576xf32, #tpu.memory_space<vmem_shared>> -> memref<1048576xf32, #tpu.memory_space<vmem_shared>>
        tpu.wait_indirect_dma semaphore(%arg14 : memref<!tpu.dma_semaphore, #tpu.memory_space<semaphore_mem>>) src(%dma_wait3A_261 : memref<256xf32, #tpu.memory_space<vmem>>) dst(%dma_wait3A_265 : memref<1048576xf32, #tpu.memory_space<vmem_shared>>)
      } else {
      }
      %gt3A_179 = arith.constant 512 : i32
      %gt3A_180 = arith.cmpi sgt, %squeeze3A, %gt3A_179 : i32
      %convert_element_type3A_181 = arith.extui %gt3A_180 : i1 to i32
      %cond3A_182 = arith.constant 0 : i32
      %cond3A_183 = arith.cmpi ne, %convert_element_type3A_181, %cond3A_182 : i32
      scf.if %cond3A_183 {
        %dma_wait3A_260 = arith.constant 512 : i32
        %dma_wait3A_261 = tpu.memref_slice %arg11[%dma_wait3A_260] : memref<4608xf32, #tpu.memory_space<vmem>> -> memref<256xf32, #tpu.memory_space<vmem>>
        %dma_wait3A_262 = arith.constant 512 : i32
        %dma_wait3A_263 = tpu.memref_slice %arg10[%dma_wait3A_262] : memref<4608xi32, #tpu.memory_space<vmem>> -> memref<256xi32, #tpu.memory_space<vmem>>
        %dma_wait3A_264 = arith.constant 0 : i32
        %dma_wait3A_265 = tpu.memref_slice %arg15[%dma_wait3A_264] : memref<1048576xf32, #tpu.memory_space<vmem_shared>> -> memref<1048576xf32, #tpu.memory_space<vmem_shared>>
        tpu.wait_indirect_dma semaphore(%arg14 : memref<!tpu.dma_semaphore, #tpu.memory_space<semaphore_mem>>) src(%dma_wait3A_261 : memref<256xf32, #tpu.memory_space<vmem>>) dst(%dma_wait3A_265 : memref<1048576xf32, #tpu.memory_space<vmem_shared>>)
      } else {
      }
      %gt3A_184 = arith.constant 768 : i32
      %gt3A_185 = arith.cmpi sgt, %squeeze3A, %gt3A_184 : i32
      %convert_element_type3A_186 = arith.extui %gt3A_185 : i1 to i32
      %cond3A_187 = arith.constant 0 : i32
      %cond3A_188 = arith.cmpi ne, %convert_element_type3A_186, %cond3A_187 : i32
      scf.if %cond3A_188 {
        %dma_wait3A_260 = arith.constant 768 : i32
        %dma_wait3A_261 = tpu.memref_slice %arg11[%dma_wait3A_260] : memref<4608xf32, #tpu.memory_space<vmem>> -> memref<256xf32, #tpu.memory_space<vmem>>
        %dma_wait3A_262 = arith.constant 768 : i32
        %dma_wait3A_263 = tpu.memref_slice %arg10[%dma_wait3A_262] : memref<4608xi32, #tpu.memory_space<vmem>> -> memref<256xi32, #tpu.memory_space<vmem>>
        %dma_wait3A_264 = arith.constant 0 : i32
        %dma_wait3A_265 = tpu.memref_slice %arg15[%dma_wait3A_264] : memref<1048576xf32, #tpu.memory_space<vmem_shared>> -> memref<1048576xf32, #tpu.memory_space<vmem_shared>>
        tpu.wait_indirect_dma semaphore(%arg14 : memref<!tpu.dma_semaphore, #tpu.memory_space<semaphore_mem>>) src(%dma_wait3A_261 : memref<256xf32, #tpu.memory_space<vmem>>) dst(%dma_wait3A_265 : memref<1048576xf32, #tpu.memory_space<vmem_shared>>)
      } else {
      }
      %gt3A_189 = arith.constant 1024 : i32
      %gt3A_190 = arith.cmpi sgt, %squeeze3A, %gt3A_189 : i32
      %convert_element_type3A_191 = arith.extui %gt3A_190 : i1 to i32
      %cond3A_192 = arith.constant 0 : i32
      %cond3A_193 = arith.cmpi ne, %convert_element_type3A_191, %cond3A_192 : i32
      scf.if %cond3A_193 {
        %dma_wait3A_260 = arith.constant 1024 : i32
        %dma_wait3A_261 = tpu.memref_slice %arg11[%dma_wait3A_260] : memref<4608xf32, #tpu.memory_space<vmem>> -> memref<256xf32, #tpu.memory_space<vmem>>
        %dma_wait3A_262 = arith.constant 1024 : i32
        %dma_wait3A_263 = tpu.memref_slice %arg10[%dma_wait3A_262] : memref<4608xi32, #tpu.memory_space<vmem>> -> memref<256xi32, #tpu.memory_space<vmem>>
        %dma_wait3A_264 = arith.constant 0 : i32
        %dma_wait3A_265 = tpu.memref_slice %arg15[%dma_wait3A_264] : memref<1048576xf32, #tpu.memory_space<vmem_shared>> -> memref<1048576xf32, #tpu.memory_space<vmem_shared>>
        tpu.wait_indirect_dma semaphore(%arg14 : memref<!tpu.dma_semaphore, #tpu.memory_space<semaphore_mem>>) src(%dma_wait3A_261 : memref<256xf32, #tpu.memory_space<vmem>>) dst(%dma_wait3A_265 : memref<1048576xf32, #tpu.memory_space<vmem_shared>>)
      } else {
      }
      %gt3A_194 = arith.constant 1280 : i32
      %gt3A_195 = arith.cmpi sgt, %squeeze3A, %gt3A_194 : i32
      %convert_element_type3A_196 = arith.extui %gt3A_195 : i1 to i32
      %cond3A_197 = arith.constant 0 : i32
      %cond3A_198 = arith.cmpi ne, %convert_element_type3A_196, %cond3A_197 : i32
      scf.if %cond3A_198 {
        %dma_wait3A_260 = arith.constant 1280 : i32
        %dma_wait3A_261 = tpu.memref_slice %arg11[%dma_wait3A_260] : memref<4608xf32, #tpu.memory_space<vmem>> -> memref<256xf32, #tpu.memory_space<vmem>>
        %dma_wait3A_262 = arith.constant 1280 : i32
        %dma_wait3A_263 = tpu.memref_slice %arg10[%dma_wait3A_262] : memref<4608xi32, #tpu.memory_space<vmem>> -> memref<256xi32, #tpu.memory_space<vmem>>
        %dma_wait3A_264 = arith.constant 0 : i32
        %dma_wait3A_265 = tpu.memref_slice %arg15[%dma_wait3A_264] : memref<1048576xf32, #tpu.memory_space<vmem_shared>> -> memref<1048576xf32, #tpu.memory_space<vmem_shared>>
        tpu.wait_indirect_dma semaphore(%arg14 : memref<!tpu.dma_semaphore, #tpu.memory_space<semaphore_mem>>) src(%dma_wait3A_261 : memref<256xf32, #tpu.memory_space<vmem>>) dst(%dma_wait3A_265 : memref<1048576xf32, #tpu.memory_space<vmem_shared>>)
      } else {
      }
      %gt3A_199 = arith.constant 1536 : i32
      %gt3A_200 = arith.cmpi sgt, %squeeze3A, %gt3A_199 : i32
      %convert_element_type3A_201 = arith.extui %gt3A_200 : i1 to i32
      %cond3A_202 = arith.constant 0 : i32
      %cond3A_203 = arith.cmpi ne, %convert_element_type3A_201, %cond3A_202 : i32
      scf.if %cond3A_203 {
        %dma_wait3A_260 = arith.constant 1536 : i32
        %dma_wait3A_261 = tpu.memref_slice %arg11[%dma_wait3A_260] : memref<4608xf32, #tpu.memory_space<vmem>> -> memref<256xf32, #tpu.memory_space<vmem>>
        %dma_wait3A_262 = arith.constant 1536 : i32
        %dma_wait3A_263 = tpu.memref_slice %arg10[%dma_wait3A_262] : memref<4608xi32, #tpu.memory_space<vmem>> -> memref<256xi32, #tpu.memory_space<vmem>>
        %dma_wait3A_264 = arith.constant 0 : i32
        %dma_wait3A_265 = tpu.memref_slice %arg15[%dma_wait3A_264] : memref<1048576xf32, #tpu.memory_space<vmem_shared>> -> memref<1048576xf32, #tpu.memory_space<vmem_shared>>
        tpu.wait_indirect_dma semaphore(%arg14 : memref<!tpu.dma_semaphore, #tpu.memory_space<semaphore_mem>>) src(%dma_wait3A_261 : memref<256xf32, #tpu.memory_space<vmem>>) dst(%dma_wait3A_265 : memref<1048576xf32, #tpu.memory_space<vmem_shared>>)
      } else {
      }
      %gt3A_204 = arith.constant 1792 : i32
      %gt3A_205 = arith.cmpi sgt, %squeeze3A, %gt3A_204 : i32
      %convert_element_type3A_206 = arith.extui %gt3A_205 : i1 to i32
      %cond3A_207 = arith.constant 0 : i32
      %cond3A_208 = arith.cmpi ne, %convert_element_type3A_206, %cond3A_207 : i32
      scf.if %cond3A_208 {
        %dma_wait3A_260 = arith.constant 1792 : i32
        %dma_wait3A_261 = tpu.memref_slice %arg11[%dma_wait3A_260] : memref<4608xf32, #tpu.memory_space<vmem>> -> memref<256xf32, #tpu.memory_space<vmem>>
        %dma_wait3A_262 = arith.constant 1792 : i32
        %dma_wait3A_263 = tpu.memref_slice %arg10[%dma_wait3A_262] : memref<4608xi32, #tpu.memory_space<vmem>> -> memref<256xi32, #tpu.memory_space<vmem>>
        %dma_wait3A_264 = arith.constant 0 : i32
        %dma_wait3A_265 = tpu.memref_slice %arg15[%dma_wait3A_264] : memref<1048576xf32, #tpu.memory_space<vmem_shared>> -> memref<1048576xf32, #tpu.memory_space<vmem_shared>>
        tpu.wait_indirect_dma semaphore(%arg14 : memref<!tpu.dma_semaphore, #tpu.memory_space<semaphore_mem>>) src(%dma_wait3A_261 : memref<256xf32, #tpu.memory_space<vmem>>) dst(%dma_wait3A_265 : memref<1048576xf32, #tpu.memory_space<vmem_shared>>)
      } else {
      }
      %gt3A_209 = arith.constant 2048 : i32
      %gt3A_210 = arith.cmpi sgt, %squeeze3A, %gt3A_209 : i32
      %convert_element_type3A_211 = arith.extui %gt3A_210 : i1 to i32
      %cond3A_212 = arith.constant 0 : i32
      %cond3A_213 = arith.cmpi ne, %convert_element_type3A_211, %cond3A_212 : i32
      scf.if %cond3A_213 {
        %dma_wait3A_260 = arith.constant 2048 : i32
        %dma_wait3A_261 = tpu.memref_slice %arg11[%dma_wait3A_260] : memref<4608xf32, #tpu.memory_space<vmem>> -> memref<256xf32, #tpu.memory_space<vmem>>
        %dma_wait3A_262 = arith.constant 2048 : i32
        %dma_wait3A_263 = tpu.memref_slice %arg10[%dma_wait3A_262] : memref<4608xi32, #tpu.memory_space<vmem>> -> memref<256xi32, #tpu.memory_space<vmem>>
        %dma_wait3A_264 = arith.constant 0 : i32
        %dma_wait3A_265 = tpu.memref_slice %arg15[%dma_wait3A_264] : memref<1048576xf32, #tpu.memory_space<vmem_shared>> -> memref<1048576xf32, #tpu.memory_space<vmem_shared>>
        tpu.wait_indirect_dma semaphore(%arg14 : memref<!tpu.dma_semaphore, #tpu.memory_space<semaphore_mem>>) src(%dma_wait3A_261 : memref<256xf32, #tpu.memory_space<vmem>>) dst(%dma_wait3A_265 : memref<1048576xf32, #tpu.memory_space<vmem_shared>>)
      } else {
      }
      %gt3A_214 = arith.constant 2304 : i32
      %gt3A_215 = arith.cmpi sgt, %squeeze3A, %gt3A_214 : i32
      %convert_element_type3A_216 = arith.extui %gt3A_215 : i1 to i32
      %cond3A_217 = arith.constant 0 : i32
      %cond3A_218 = arith.cmpi ne, %convert_element_type3A_216, %cond3A_217 : i32
      scf.if %cond3A_218 {
        %dma_wait3A_260 = arith.constant 2304 : i32
        %dma_wait3A_261 = tpu.memref_slice %arg11[%dma_wait3A_260] : memref<4608xf32, #tpu.memory_space<vmem>> -> memref<256xf32, #tpu.memory_space<vmem>>
        %dma_wait3A_262 = arith.constant 2304 : i32
        %dma_wait3A_263 = tpu.memref_slice %arg10[%dma_wait3A_262] : memref<4608xi32, #tpu.memory_space<vmem>> -> memref<256xi32, #tpu.memory_space<vmem>>
        %dma_wait3A_264 = arith.constant 0 : i32
        %dma_wait3A_265 = tpu.memref_slice %arg15[%dma_wait3A_264] : memref<1048576xf32, #tpu.memory_space<vmem_shared>> -> memref<1048576xf32, #tpu.memory_space<vmem_shared>>
        tpu.wait_indirect_dma semaphore(%arg14 : memref<!tpu.dma_semaphore, #tpu.memory_space<semaphore_mem>>) src(%dma_wait3A_261 : memref<256xf32, #tpu.memory_space<vmem>>) dst(%dma_wait3A_265 : memref<1048576xf32, #tpu.memory_space<vmem_shared>>)
      } else {
      }
      %gt3A_219 = arith.constant 2560 : i32
      %gt3A_220 = arith.cmpi sgt, %squeeze3A, %gt3A_219 : i32
      %convert_element_type3A_221 = arith.extui %gt3A_220 : i1 to i32
      %cond3A_222 = arith.constant 0 : i32
      %cond3A_223 = arith.cmpi ne, %convert_element_type3A_221, %cond3A_222 : i32
      scf.if %cond3A_223 {
        %dma_wait3A_260 = arith.constant 2560 : i32
        %dma_wait3A_261 = tpu.memref_slice %arg11[%dma_wait3A_260] : memref<4608xf32, #tpu.memory_space<vmem>> -> memref<256xf32, #tpu.memory_space<vmem>>
        %dma_wait3A_262 = arith.constant 2560 : i32
        %dma_wait3A_263 = tpu.memref_slice %arg10[%dma_wait3A_262] : memref<4608xi32, #tpu.memory_space<vmem>> -> memref<256xi32, #tpu.memory_space<vmem>>
        %dma_wait3A_264 = arith.constant 0 : i32
        %dma_wait3A_265 = tpu.memref_slice %arg15[%dma_wait3A_264] : memref<1048576xf32, #tpu.memory_space<vmem_shared>> -> memref<1048576xf32, #tpu.memory_space<vmem_shared>>
        tpu.wait_indirect_dma semaphore(%arg14 : memref<!tpu.dma_semaphore, #tpu.memory_space<semaphore_mem>>) src(%dma_wait3A_261 : memref<256xf32, #tpu.memory_space<vmem>>) dst(%dma_wait3A_265 : memref<1048576xf32, #tpu.memory_space<vmem_shared>>)
      } else {
      }
      %gt3A_224 = arith.constant 2816 : i32
      %gt3A_225 = arith.cmpi sgt, %squeeze3A, %gt3A_224 : i32
      %convert_element_type3A_226 = arith.extui %gt3A_225 : i1 to i32
      %cond3A_227 = arith.constant 0 : i32
      %cond3A_228 = arith.cmpi ne, %convert_element_type3A_226, %cond3A_227 : i32
      scf.if %cond3A_228 {
        %dma_wait3A_260 = arith.constant 2816 : i32
        %dma_wait3A_261 = tpu.memref_slice %arg11[%dma_wait3A_260] : memref<4608xf32, #tpu.memory_space<vmem>> -> memref<256xf32, #tpu.memory_space<vmem>>
        %dma_wait3A_262 = arith.constant 2816 : i32
        %dma_wait3A_263 = tpu.memref_slice %arg10[%dma_wait3A_262] : memref<4608xi32, #tpu.memory_space<vmem>> -> memref<256xi32, #tpu.memory_space<vmem>>
        %dma_wait3A_264 = arith.constant 0 : i32
        %dma_wait3A_265 = tpu.memref_slice %arg15[%dma_wait3A_264] : memref<1048576xf32, #tpu.memory_space<vmem_shared>> -> memref<1048576xf32, #tpu.memory_space<vmem_shared>>
        tpu.wait_indirect_dma semaphore(%arg14 : memref<!tpu.dma_semaphore, #tpu.memory_space<semaphore_mem>>) src(%dma_wait3A_261 : memref<256xf32, #tpu.memory_space<vmem>>) dst(%dma_wait3A_265 : memref<1048576xf32, #tpu.memory_space<vmem_shared>>)
      } else {
      }
      %gt3A_229 = arith.constant 3072 : i32
      %gt3A_230 = arith.cmpi sgt, %squeeze3A, %gt3A_229 : i32
      %convert_element_type3A_231 = arith.extui %gt3A_230 : i1 to i32
      %cond3A_232 = arith.constant 0 : i32
      %cond3A_233 = arith.cmpi ne, %convert_element_type3A_231, %cond3A_232 : i32
      scf.if %cond3A_233 {
        %dma_wait3A_260 = arith.constant 3072 : i32
        %dma_wait3A_261 = tpu.memref_slice %arg11[%dma_wait3A_260] : memref<4608xf32, #tpu.memory_space<vmem>> -> memref<256xf32, #tpu.memory_space<vmem>>
        %dma_wait3A_262 = arith.constant 3072 : i32
        %dma_wait3A_263 = tpu.memref_slice %arg10[%dma_wait3A_262] : memref<4608xi32, #tpu.memory_space<vmem>> -> memref<256xi32, #tpu.memory_space<vmem>>
        %dma_wait3A_264 = arith.constant 0 : i32
        %dma_wait3A_265 = tpu.memref_slice %arg15[%dma_wait3A_264] : memref<1048576xf32, #tpu.memory_space<vmem_shared>> -> memref<1048576xf32, #tpu.memory_space<vmem_shared>>
        tpu.wait_indirect_dma semaphore(%arg14 : memref<!tpu.dma_semaphore, #tpu.memory_space<semaphore_mem>>) src(%dma_wait3A_261 : memref<256xf32, #tpu.memory_space<vmem>>) dst(%dma_wait3A_265 : memref<1048576xf32, #tpu.memory_space<vmem_shared>>)
      } else {
      }
      %gt3A_234 = arith.constant 3328 : i32
      %gt3A_235 = arith.cmpi sgt, %squeeze3A, %gt3A_234 : i32
      %convert_element_type3A_236 = arith.extui %gt3A_235 : i1 to i32
      %cond3A_237 = arith.constant 0 : i32
      %cond3A_238 = arith.cmpi ne, %convert_element_type3A_236, %cond3A_237 : i32
      scf.if %cond3A_238 {
        %dma_wait3A_260 = arith.constant 3328 : i32
        %dma_wait3A_261 = tpu.memref_slice %arg11[%dma_wait3A_260] : memref<4608xf32, #tpu.memory_space<vmem>> -> memref<256xf32, #tpu.memory_space<vmem>>
        %dma_wait3A_262 = arith.constant 3328 : i32
        %dma_wait3A_263 = tpu.memref_slice %arg10[%dma_wait3A_262] : memref<4608xi32, #tpu.memory_space<vmem>> -> memref<256xi32, #tpu.memory_space<vmem>>
        %dma_wait3A_264 = arith.constant 0 : i32
        %dma_wait3A_265 = tpu.memref_slice %arg15[%dma_wait3A_264] : memref<1048576xf32, #tpu.memory_space<vmem_shared>> -> memref<1048576xf32, #tpu.memory_space<vmem_shared>>
        tpu.wait_indirect_dma semaphore(%arg14 : memref<!tpu.dma_semaphore, #tpu.memory_space<semaphore_mem>>) src(%dma_wait3A_261 : memref<256xf32, #tpu.memory_space<vmem>>) dst(%dma_wait3A_265 : memref<1048576xf32, #tpu.memory_space<vmem_shared>>)
      } else {
      }
      %gt3A_239 = arith.constant 3584 : i32
      %gt3A_240 = arith.cmpi sgt, %squeeze3A, %gt3A_239 : i32
      %convert_element_type3A_241 = arith.extui %gt3A_240 : i1 to i32
      %cond3A_242 = arith.constant 0 : i32
      %cond3A_243 = arith.cmpi ne, %convert_element_type3A_241, %cond3A_242 : i32
      scf.if %cond3A_243 {
        %dma_wait3A_260 = arith.constant 3584 : i32
        %dma_wait3A_261 = tpu.memref_slice %arg11[%dma_wait3A_260] : memref<4608xf32, #tpu.memory_space<vmem>> -> memref<256xf32, #tpu.memory_space<vmem>>
        %dma_wait3A_262 = arith.constant 3584 : i32
        %dma_wait3A_263 = tpu.memref_slice %arg10[%dma_wait3A_262] : memref<4608xi32, #tpu.memory_space<vmem>> -> memref<256xi32, #tpu.memory_space<vmem>>
        %dma_wait3A_264 = arith.constant 0 : i32
        %dma_wait3A_265 = tpu.memref_slice %arg15[%dma_wait3A_264] : memref<1048576xf32, #tpu.memory_space<vmem_shared>> -> memref<1048576xf32, #tpu.memory_space<vmem_shared>>
        tpu.wait_indirect_dma semaphore(%arg14 : memref<!tpu.dma_semaphore, #tpu.memory_space<semaphore_mem>>) src(%dma_wait3A_261 : memref<256xf32, #tpu.memory_space<vmem>>) dst(%dma_wait3A_265 : memref<1048576xf32, #tpu.memory_space<vmem_shared>>)
      } else {
      }
      %gt3A_244 = arith.constant 3840 : i32
      %gt3A_245 = arith.cmpi sgt, %squeeze3A, %gt3A_244 : i32
      %convert_element_type3A_246 = arith.extui %gt3A_245 : i1 to i32
      %cond3A_247 = arith.constant 0 : i32
      %cond3A_248 = arith.cmpi ne, %convert_element_type3A_246, %cond3A_247 : i32
      scf.if %cond3A_248 {
        %dma_wait3A_260 = arith.constant 3840 : i32
        %dma_wait3A_261 = tpu.memref_slice %arg11[%dma_wait3A_260] : memref<4608xf32, #tpu.memory_space<vmem>> -> memref<256xf32, #tpu.memory_space<vmem>>
        %dma_wait3A_262 = arith.constant 3840 : i32
        %dma_wait3A_263 = tpu.memref_slice %arg10[%dma_wait3A_262] : memref<4608xi32, #tpu.memory_space<vmem>> -> memref<256xi32, #tpu.memory_space<vmem>>
        %dma_wait3A_264 = arith.constant 0 : i32
        %dma_wait3A_265 = tpu.memref_slice %arg15[%dma_wait3A_264] : memref<1048576xf32, #tpu.memory_space<vmem_shared>> -> memref<1048576xf32, #tpu.memory_space<vmem_shared>>
        tpu.wait_indirect_dma semaphore(%arg14 : memref<!tpu.dma_semaphore, #tpu.memory_space<semaphore_mem>>) src(%dma_wait3A_261 : memref<256xf32, #tpu.memory_space<vmem>>) dst(%dma_wait3A_265 : memref<1048576xf32, #tpu.memory_space<vmem_shared>>)
      } else {
      }
      %barrier3A_249 = arith.constant 0 : index
      tpu.barrier barrier_id(%barrier3A_249)
      %mul3A_250 = arith.constant 4194304 : i32
      %mul3A_251 = arith.muli %select_n3A, %mul3A_250 : i32
      %mul3A_252 = arith.constant 2048 : i32
      %mul3A_253 = arith.muli %add3A_41, %mul3A_252 : i32
      %add3A_254 = arith.addi %mul3A_251, %mul3A_253 : i32
      %mul3A_255 = arith.constant 65536 : i32
      %mul3A_256 = arith.muli %arg1, %mul3A_255 : i32
      %add3A_257 = arith.addi %add3A_254, %mul3A_256 : i32
      %mul3A_258 = arith.constant 65536 : i32
      %mul3A_259 = arith.muli %arg1, %mul3A_258 : i32
      "tpu.region"() ({
        %run_scoped3A = tpu.sem_alloc : memref<!tpu.dma_semaphore, #tpu.memory_space<semaphore_mem>>
        %dma_start3A_260 = tpu.memref_slice %arg6[%add3A_257] : memref<20971520xf32, #tpu.memory_space<hbm>> -> memref<65536xf32, #tpu.memory_space<hbm>>
        %dma_start3A_261 = tpu.memref_slice %arg15[%mul3A_259] : memref<1048576xf32, #tpu.memory_space<vmem_shared>> -> memref<65536xf32, #tpu.memory_space<vmem_shared>>
        tpu.enqueue_dma source(%dma_start3A_261 : memref<65536xf32, #tpu.memory_space<vmem_shared>>) target(%dma_start3A_260 : memref<65536xf32, #tpu.memory_space<hbm>>) target_semaphore(%run_scoped3A : memref<!tpu.dma_semaphore, #tpu.memory_space<semaphore_mem>>)
        %dma_wait3A_262 = tpu.memref_slice %arg6[%add3A_257] : memref<20971520xf32, #tpu.memory_space<hbm>> -> memref<65536xf32, #tpu.memory_space<hbm>>
        %dma_wait3A_263 = tpu.memref_slice %arg15[%mul3A_259] : memref<1048576xf32, #tpu.memory_space<vmem_shared>> -> memref<65536xf32, #tpu.memory_space<vmem_shared>>
        tpu.wait_dma2 semaphore(%run_scoped3A : memref<!tpu.dma_semaphore, #tpu.memory_space<semaphore_mem>>) src(%dma_wait3A_263 : memref<65536xf32, #tpu.memory_space<vmem_shared>>) dst(%dma_wait3A_262 : memref<65536xf32, #tpu.memory_space<hbm>>)
        tpu.yield
      }) : () -> ()
    }
    %scan3A_7 = arith.constant 10 : i32
    return
  }
}

module attributes {stable_mosaic.version = 14 : i64} {
  func.func @_combine_body(%arg0: i32, %arg1: memref<2x5xf32, #tpu.memory_space<vmem>>, %arg2: memref<2x5xf32, #tpu.memory_space<vmem>>, %arg3: memref<2x5xf32, #tpu.memory_space<vmem>>, %arg4: memref<5x128x2048xf32, #tpu.memory_space<vmem>>, %arg5: memref<6x128x2048xbf16, #tpu.memory_space<vmem>>, %arg6: memref<2x1x2048xf32, #tpu.memory_space<vmem>>) attributes {dimension_semantics = [#tpu.dimension_semantics<arbitrary>], iteration_bounds = array<i64: 16>, scalar_prefetch = 0 : i64, scratch_operands = 0 : i64, tpu.core_type = #tpu.core_type<tc>, window_params = [{pipeline_mode = #tpu.pipeline_mode<synchronous>, transform_indices = @transform_0, window_bounds = array<i64: 2, 5>}, {pipeline_mode = #tpu.pipeline_mode<synchronous>, transform_indices = @transform_1, window_bounds = array<i64: 2, 5>}, {pipeline_mode = #tpu.pipeline_mode<synchronous>, transform_indices = @transform_2, window_bounds = array<i64: 2, 5>}, {transform_indices = @transform_3, window_bounds = array<i64: 5, 128, 2048>}, {transform_indices = @transform_4, window_bounds = array<i64: 6, 128, 2048>}, {pipeline_mode = #tpu.pipeline_mode<synchronous>, transform_indices = @transform_5, window_bounds = array<i64: 2, 1, 2048>}]} {
    %get3A = arith.constant 0 : index
    %get3A_0 = arith.constant 0 : index
    %get3A_1 = vector.load %arg1[%get3A, %get3A_0] : memref<2x5xf32, #tpu.memory_space<vmem>>, vector<2x5xf32>
    %reduce_max3A = arith.constant dense<0xFF800000> : vector<2xf32>
    %reduce_max3A_2 = vector.multi_reduction <maximumf>, %get3A_1, %reduce_max3A [1] : vector<2x5xf32> to vector<2xf32>
    %max3A = arith.constant 0xFF800000 : f32
    %max3A_3 = vector.broadcast %max3A : f32 to vector<2xf32>
    %max3A_4 = arith.maximumf %max3A_3, %reduce_max3A_2 : vector<2xf32>
    %broadcast_in_dim3A = vector.shape_cast %max3A_4 : vector<2xf32> to vector<2x1xf32>
    %sub3A = vector.broadcast %broadcast_in_dim3A : vector<2x1xf32> to vector<2x5xf32>
    %sub3A_5 = arith.subf %get3A_1, %sub3A : vector<2x5xf32>
    %exp3A = math.exp %sub3A_5 : vector<2x5xf32>
    %reduce_sum3A = arith.constant dense<0.000000e+00> : vector<2xf32>
    %reduce_sum3A_6 = vector.multi_reduction <add>, %exp3A, %reduce_sum3A [1] : vector<2x5xf32> to vector<2xf32>
    %broadcast_in_dim3A_7 = vector.shape_cast %reduce_sum3A_6 : vector<2xf32> to vector<2x1xf32>
    %div3A = vector.broadcast %broadcast_in_dim3A_7 : vector<2x1xf32> to vector<2x5xf32>
    %div3A_8 = arith.divf %exp3A, %div3A : vector<2x5xf32>
    %get3A_9 = arith.constant 0 : index
    %get3A_10 = arith.constant 0 : index
    %get3A_11 = vector.load %arg2[%get3A_9, %get3A_10] : memref<2x5xf32, #tpu.memory_space<vmem>>, vector<2x5xf32>
    %reduce_max3A_12 = arith.constant dense<0xFF800000> : vector<2xf32>
    %reduce_max3A_13 = vector.multi_reduction <maximumf>, %get3A_11, %reduce_max3A_12 [1] : vector<2x5xf32> to vector<2xf32>
    %max3A_14 = arith.constant 0xFF800000 : f32
    %max3A_15 = vector.broadcast %max3A_14 : f32 to vector<2xf32>
    %max3A_16 = arith.maximumf %max3A_15, %reduce_max3A_13 : vector<2xf32>
    %broadcast_in_dim3A_17 = vector.shape_cast %max3A_16 : vector<2xf32> to vector<2x1xf32>
    %sub3A_18 = vector.broadcast %broadcast_in_dim3A_17 : vector<2x1xf32> to vector<2x5xf32>
    %sub3A_19 = arith.subf %get3A_11, %sub3A_18 : vector<2x5xf32>
    %exp3A_20 = math.exp %sub3A_19 : vector<2x5xf32>
    %reduce_sum3A_21 = arith.constant dense<0.000000e+00> : vector<2xf32>
    %reduce_sum3A_22 = vector.multi_reduction <add>, %exp3A_20, %reduce_sum3A_21 [1] : vector<2x5xf32> to vector<2xf32>
    %broadcast_in_dim3A_23 = vector.shape_cast %reduce_sum3A_22 : vector<2xf32> to vector<2x1xf32>
    %div3A_24 = vector.broadcast %broadcast_in_dim3A_23 : vector<2x1xf32> to vector<2x5xf32>
    %div3A_25 = arith.divf %exp3A_20, %div3A_24 : vector<2x5xf32>
    %get3A_26 = arith.constant 0 : index
    %get3A_27 = arith.constant 0 : index
    %get3A_28 = vector.load %arg3[%get3A_26, %get3A_27] : memref<2x5xf32, #tpu.memory_space<vmem>>, vector<2x5xf32>
    %reduce_max3A_29 = arith.constant dense<0xFF800000> : vector<2xf32>
    %reduce_max3A_30 = vector.multi_reduction <maximumf>, %get3A_28, %reduce_max3A_29 [1] : vector<2x5xf32> to vector<2xf32>
    %max3A_31 = arith.constant 0xFF800000 : f32
    %max3A_32 = vector.broadcast %max3A_31 : f32 to vector<2xf32>
    %max3A_33 = arith.maximumf %max3A_32, %reduce_max3A_30 : vector<2xf32>
    %broadcast_in_dim3A_34 = vector.shape_cast %max3A_33 : vector<2xf32> to vector<2x1xf32>
    %sub3A_35 = vector.broadcast %broadcast_in_dim3A_34 : vector<2x1xf32> to vector<2x5xf32>
    %sub3A_36 = arith.subf %get3A_28, %sub3A_35 : vector<2x5xf32>
    %exp3A_37 = math.exp %sub3A_36 : vector<2x5xf32>
    %reduce_sum3A_38 = arith.constant dense<0.000000e+00> : vector<2xf32>
    %reduce_sum3A_39 = vector.multi_reduction <add>, %exp3A_37, %reduce_sum3A_38 [1] : vector<2x5xf32> to vector<2xf32>
    %broadcast_in_dim3A_40 = vector.shape_cast %reduce_sum3A_39 : vector<2xf32> to vector<2x1xf32>
    %div3A_41 = vector.broadcast %broadcast_in_dim3A_40 : vector<2x1xf32> to vector<2x5xf32>
    %div3A_42 = arith.divf %exp3A_37, %div3A_41 : vector<2x5xf32>
    %concatenate3A = tpu.concatenate %div3A_8, %div3A_25, %div3A_42 in 0 : vector<2x5xf32>, vector<2x5xf32>, vector<2x5xf32> -> vector<6x5xf32>
    %get3A_43 = arith.constant 0 : index
    %get3A_44 = arith.constant 0 : index
    %get3A_45 = arith.constant 0 : index
    %get3A_46 = vector.load %arg4[%get3A_43, %get3A_44, %get3A_45] : memref<5x128x2048xf32, #tpu.memory_space<vmem>>, vector<5x128x2048xf32>
    %slice3A = vector.extract_strided_slice %concatenate3A {offsets = [0, 0], sizes = [1, 1], strides = [1, 1]} : vector<6x5xf32> to vector<1x1xf32>
    %squeeze3A = vector.extract %slice3A[0, 0] : f32 from vector<1x1xf32>
    %slice3A_47 = vector.extract_strided_slice %get3A_46 {offsets = [0, 0, 0], sizes = [1, 128, 2048], strides = [1, 1, 1]} : vector<5x128x2048xf32> to vector<1x128x2048xf32>
    %squeeze3A_48 = vector.shape_cast %slice3A_47 : vector<1x128x2048xf32> to vector<128x2048xf32>
    %mul3A = vector.broadcast %squeeze3A : f32 to vector<128x2048xf32>
    %mul3A_49 = arith.mulf %mul3A, %squeeze3A_48 : vector<128x2048xf32>
    %slice3A_50 = vector.extract_strided_slice %concatenate3A {offsets = [0, 1], sizes = [1, 1], strides = [1, 1]} : vector<6x5xf32> to vector<1x1xf32>
    %squeeze3A_51 = vector.extract %slice3A_50[0, 0] : f32 from vector<1x1xf32>
    %slice3A_52 = vector.extract_strided_slice %get3A_46 {offsets = [1, 0, 0], sizes = [1, 128, 2048], strides = [1, 1, 1]} : vector<5x128x2048xf32> to vector<1x128x2048xf32>
    %squeeze3A_53 = vector.shape_cast %slice3A_52 : vector<1x128x2048xf32> to vector<128x2048xf32>
    %mul3A_54 = vector.broadcast %squeeze3A_51 : f32 to vector<128x2048xf32>
    %mul3A_55 = arith.mulf %mul3A_54, %squeeze3A_53 : vector<128x2048xf32>
    %add3A = arith.addf %mul3A_49, %mul3A_55 : vector<128x2048xf32>
    %slice3A_56 = vector.extract_strided_slice %concatenate3A {offsets = [0, 2], sizes = [1, 1], strides = [1, 1]} : vector<6x5xf32> to vector<1x1xf32>
    %squeeze3A_57 = vector.extract %slice3A_56[0, 0] : f32 from vector<1x1xf32>
    %slice3A_58 = vector.extract_strided_slice %get3A_46 {offsets = [2, 0, 0], sizes = [1, 128, 2048], strides = [1, 1, 1]} : vector<5x128x2048xf32> to vector<1x128x2048xf32>
    %squeeze3A_59 = vector.shape_cast %slice3A_58 : vector<1x128x2048xf32> to vector<128x2048xf32>
    %mul3A_60 = vector.broadcast %squeeze3A_57 : f32 to vector<128x2048xf32>
    %mul3A_61 = arith.mulf %mul3A_60, %squeeze3A_59 : vector<128x2048xf32>
    %add3A_62 = arith.addf %add3A, %mul3A_61 : vector<128x2048xf32>
    %slice3A_63 = vector.extract_strided_slice %concatenate3A {offsets = [0, 3], sizes = [1, 1], strides = [1, 1]} : vector<6x5xf32> to vector<1x1xf32>
    %squeeze3A_64 = vector.extract %slice3A_63[0, 0] : f32 from vector<1x1xf32>
    %slice3A_65 = vector.extract_strided_slice %get3A_46 {offsets = [3, 0, 0], sizes = [1, 128, 2048], strides = [1, 1, 1]} : vector<5x128x2048xf32> to vector<1x128x2048xf32>
    %squeeze3A_66 = vector.shape_cast %slice3A_65 : vector<1x128x2048xf32> to vector<128x2048xf32>
    %mul3A_67 = vector.broadcast %squeeze3A_64 : f32 to vector<128x2048xf32>
    %mul3A_68 = arith.mulf %mul3A_67, %squeeze3A_66 : vector<128x2048xf32>
    %add3A_69 = arith.addf %add3A_62, %mul3A_68 : vector<128x2048xf32>
    %slice3A_70 = vector.extract_strided_slice %concatenate3A {offsets = [0, 4], sizes = [1, 1], strides = [1, 1]} : vector<6x5xf32> to vector<1x1xf32>
    %squeeze3A_71 = vector.extract %slice3A_70[0, 0] : f32 from vector<1x1xf32>
    %slice3A_72 = vector.extract_strided_slice %get3A_46 {offsets = [4, 0, 0], sizes = [1, 128, 2048], strides = [1, 1, 1]} : vector<5x128x2048xf32> to vector<1x128x2048xf32>
    %squeeze3A_73 = vector.shape_cast %slice3A_72 : vector<1x128x2048xf32> to vector<128x2048xf32>
    %mul3A_74 = vector.broadcast %squeeze3A_71 : f32 to vector<128x2048xf32>
    %mul3A_75 = arith.mulf %mul3A_74, %squeeze3A_73 : vector<128x2048xf32>
    %add3A_76 = arith.addf %add3A_69, %mul3A_75 : vector<128x2048xf32>
    %slice3A_77 = vector.extract_strided_slice %concatenate3A {offsets = [1, 0], sizes = [1, 1], strides = [1, 1]} : vector<6x5xf32> to vector<1x1xf32>
    %squeeze3A_78 = vector.extract %slice3A_77[0, 0] : f32 from vector<1x1xf32>
    %slice3A_79 = vector.extract_strided_slice %get3A_46 {offsets = [0, 0, 0], sizes = [1, 128, 2048], strides = [1, 1, 1]} : vector<5x128x2048xf32> to vector<1x128x2048xf32>
    %squeeze3A_80 = vector.shape_cast %slice3A_79 : vector<1x128x2048xf32> to vector<128x2048xf32>
    %mul3A_81 = vector.broadcast %squeeze3A_78 : f32 to vector<128x2048xf32>
    %mul3A_82 = arith.mulf %mul3A_81, %squeeze3A_80 : vector<128x2048xf32>
    %slice3A_83 = vector.extract_strided_slice %concatenate3A {offsets = [1, 1], sizes = [1, 1], strides = [1, 1]} : vector<6x5xf32> to vector<1x1xf32>
    %squeeze3A_84 = vector.extract %slice3A_83[0, 0] : f32 from vector<1x1xf32>
    %slice3A_85 = vector.extract_strided_slice %get3A_46 {offsets = [1, 0, 0], sizes = [1, 128, 2048], strides = [1, 1, 1]} : vector<5x128x2048xf32> to vector<1x128x2048xf32>
    %squeeze3A_86 = vector.shape_cast %slice3A_85 : vector<1x128x2048xf32> to vector<128x2048xf32>
    %mul3A_87 = vector.broadcast %squeeze3A_84 : f32 to vector<128x2048xf32>
    %mul3A_88 = arith.mulf %mul3A_87, %squeeze3A_86 : vector<128x2048xf32>
    %add3A_89 = arith.addf %mul3A_82, %mul3A_88 : vector<128x2048xf32>
    %slice3A_90 = vector.extract_strided_slice %concatenate3A {offsets = [1, 2], sizes = [1, 1], strides = [1, 1]} : vector<6x5xf32> to vector<1x1xf32>
    %squeeze3A_91 = vector.extract %slice3A_90[0, 0] : f32 from vector<1x1xf32>
    %slice3A_92 = vector.extract_strided_slice %get3A_46 {offsets = [2, 0, 0], sizes = [1, 128, 2048], strides = [1, 1, 1]} : vector<5x128x2048xf32> to vector<1x128x2048xf32>
    %squeeze3A_93 = vector.shape_cast %slice3A_92 : vector<1x128x2048xf32> to vector<128x2048xf32>
    %mul3A_94 = vector.broadcast %squeeze3A_91 : f32 to vector<128x2048xf32>
    %mul3A_95 = arith.mulf %mul3A_94, %squeeze3A_93 : vector<128x2048xf32>
    %add3A_96 = arith.addf %add3A_89, %mul3A_95 : vector<128x2048xf32>
    %slice3A_97 = vector.extract_strided_slice %concatenate3A {offsets = [1, 3], sizes = [1, 1], strides = [1, 1]} : vector<6x5xf32> to vector<1x1xf32>
    %squeeze3A_98 = vector.extract %slice3A_97[0, 0] : f32 from vector<1x1xf32>
    %slice3A_99 = vector.extract_strided_slice %get3A_46 {offsets = [3, 0, 0], sizes = [1, 128, 2048], strides = [1, 1, 1]} : vector<5x128x2048xf32> to vector<1x128x2048xf32>
    %squeeze3A_100 = vector.shape_cast %slice3A_99 : vector<1x128x2048xf32> to vector<128x2048xf32>
    %mul3A_101 = vector.broadcast %squeeze3A_98 : f32 to vector<128x2048xf32>
    %mul3A_102 = arith.mulf %mul3A_101, %squeeze3A_100 : vector<128x2048xf32>
    %add3A_103 = arith.addf %add3A_96, %mul3A_102 : vector<128x2048xf32>
    %slice3A_104 = vector.extract_strided_slice %concatenate3A {offsets = [1, 4], sizes = [1, 1], strides = [1, 1]} : vector<6x5xf32> to vector<1x1xf32>
    %squeeze3A_105 = vector.extract %slice3A_104[0, 0] : f32 from vector<1x1xf32>
    %slice3A_106 = vector.extract_strided_slice %get3A_46 {offsets = [4, 0, 0], sizes = [1, 128, 2048], strides = [1, 1, 1]} : vector<5x128x2048xf32> to vector<1x128x2048xf32>
    %squeeze3A_107 = vector.shape_cast %slice3A_106 : vector<1x128x2048xf32> to vector<128x2048xf32>
    %mul3A_108 = vector.broadcast %squeeze3A_105 : f32 to vector<128x2048xf32>
    %mul3A_109 = arith.mulf %mul3A_108, %squeeze3A_107 : vector<128x2048xf32>
    %add3A_110 = arith.addf %add3A_103, %mul3A_109 : vector<128x2048xf32>
    %slice3A_111 = vector.extract_strided_slice %concatenate3A {offsets = [2, 0], sizes = [1, 1], strides = [1, 1]} : vector<6x5xf32> to vector<1x1xf32>
    %squeeze3A_112 = vector.extract %slice3A_111[0, 0] : f32 from vector<1x1xf32>
    %slice3A_113 = vector.extract_strided_slice %get3A_46 {offsets = [0, 0, 0], sizes = [1, 128, 2048], strides = [1, 1, 1]} : vector<5x128x2048xf32> to vector<1x128x2048xf32>
    %squeeze3A_114 = vector.shape_cast %slice3A_113 : vector<1x128x2048xf32> to vector<128x2048xf32>
    %mul3A_115 = vector.broadcast %squeeze3A_112 : f32 to vector<128x2048xf32>
    %mul3A_116 = arith.mulf %mul3A_115, %squeeze3A_114 : vector<128x2048xf32>
    %slice3A_117 = vector.extract_strided_slice %concatenate3A {offsets = [2, 1], sizes = [1, 1], strides = [1, 1]} : vector<6x5xf32> to vector<1x1xf32>
    %squeeze3A_118 = vector.extract %slice3A_117[0, 0] : f32 from vector<1x1xf32>
    %slice3A_119 = vector.extract_strided_slice %get3A_46 {offsets = [1, 0, 0], sizes = [1, 128, 2048], strides = [1, 1, 1]} : vector<5x128x2048xf32> to vector<1x128x2048xf32>
    %squeeze3A_120 = vector.shape_cast %slice3A_119 : vector<1x128x2048xf32> to vector<128x2048xf32>
    %mul3A_121 = vector.broadcast %squeeze3A_118 : f32 to vector<128x2048xf32>
    %mul3A_122 = arith.mulf %mul3A_121, %squeeze3A_120 : vector<128x2048xf32>
    %add3A_123 = arith.addf %mul3A_116, %mul3A_122 : vector<128x2048xf32>
    %slice3A_124 = vector.extract_strided_slice %concatenate3A {offsets = [2, 2], sizes = [1, 1], strides = [1, 1]} : vector<6x5xf32> to vector<1x1xf32>
    %squeeze3A_125 = vector.extract %slice3A_124[0, 0] : f32 from vector<1x1xf32>
    %slice3A_126 = vector.extract_strided_slice %get3A_46 {offsets = [2, 0, 0], sizes = [1, 128, 2048], strides = [1, 1, 1]} : vector<5x128x2048xf32> to vector<1x128x2048xf32>
    %squeeze3A_127 = vector.shape_cast %slice3A_126 : vector<1x128x2048xf32> to vector<128x2048xf32>
    %mul3A_128 = vector.broadcast %squeeze3A_125 : f32 to vector<128x2048xf32>
    %mul3A_129 = arith.mulf %mul3A_128, %squeeze3A_127 : vector<128x2048xf32>
    %add3A_130 = arith.addf %add3A_123, %mul3A_129 : vector<128x2048xf32>
    %slice3A_131 = vector.extract_strided_slice %concatenate3A {offsets = [2, 3], sizes = [1, 1], strides = [1, 1]} : vector<6x5xf32> to vector<1x1xf32>
    %squeeze3A_132 = vector.extract %slice3A_131[0, 0] : f32 from vector<1x1xf32>
    %slice3A_133 = vector.extract_strided_slice %get3A_46 {offsets = [3, 0, 0], sizes = [1, 128, 2048], strides = [1, 1, 1]} : vector<5x128x2048xf32> to vector<1x128x2048xf32>
    %squeeze3A_134 = vector.shape_cast %slice3A_133 : vector<1x128x2048xf32> to vector<128x2048xf32>
    %mul3A_135 = vector.broadcast %squeeze3A_132 : f32 to vector<128x2048xf32>
    %mul3A_136 = arith.mulf %mul3A_135, %squeeze3A_134 : vector<128x2048xf32>
    %add3A_137 = arith.addf %add3A_130, %mul3A_136 : vector<128x2048xf32>
    %slice3A_138 = vector.extract_strided_slice %concatenate3A {offsets = [2, 4], sizes = [1, 1], strides = [1, 1]} : vector<6x5xf32> to vector<1x1xf32>
    %squeeze3A_139 = vector.extract %slice3A_138[0, 0] : f32 from vector<1x1xf32>
    %slice3A_140 = vector.extract_strided_slice %get3A_46 {offsets = [4, 0, 0], sizes = [1, 128, 2048], strides = [1, 1, 1]} : vector<5x128x2048xf32> to vector<1x128x2048xf32>
    %squeeze3A_141 = vector.shape_cast %slice3A_140 : vector<1x128x2048xf32> to vector<128x2048xf32>
    %mul3A_142 = vector.broadcast %squeeze3A_139 : f32 to vector<128x2048xf32>
    %mul3A_143 = arith.mulf %mul3A_142, %squeeze3A_141 : vector<128x2048xf32>
    %add3A_144 = arith.addf %add3A_137, %mul3A_143 : vector<128x2048xf32>
    %slice3A_145 = vector.extract_strided_slice %concatenate3A {offsets = [3, 0], sizes = [1, 1], strides = [1, 1]} : vector<6x5xf32> to vector<1x1xf32>
    %squeeze3A_146 = vector.extract %slice3A_145[0, 0] : f32 from vector<1x1xf32>
    %slice3A_147 = vector.extract_strided_slice %get3A_46 {offsets = [0, 0, 0], sizes = [1, 128, 2048], strides = [1, 1, 1]} : vector<5x128x2048xf32> to vector<1x128x2048xf32>
    %squeeze3A_148 = vector.shape_cast %slice3A_147 : vector<1x128x2048xf32> to vector<128x2048xf32>
    %mul3A_149 = vector.broadcast %squeeze3A_146 : f32 to vector<128x2048xf32>
    %mul3A_150 = arith.mulf %mul3A_149, %squeeze3A_148 : vector<128x2048xf32>
    %slice3A_151 = vector.extract_strided_slice %concatenate3A {offsets = [3, 1], sizes = [1, 1], strides = [1, 1]} : vector<6x5xf32> to vector<1x1xf32>
    %squeeze3A_152 = vector.extract %slice3A_151[0, 0] : f32 from vector<1x1xf32>
    %slice3A_153 = vector.extract_strided_slice %get3A_46 {offsets = [1, 0, 0], sizes = [1, 128, 2048], strides = [1, 1, 1]} : vector<5x128x2048xf32> to vector<1x128x2048xf32>
    %squeeze3A_154 = vector.shape_cast %slice3A_153 : vector<1x128x2048xf32> to vector<128x2048xf32>
    %mul3A_155 = vector.broadcast %squeeze3A_152 : f32 to vector<128x2048xf32>
    %mul3A_156 = arith.mulf %mul3A_155, %squeeze3A_154 : vector<128x2048xf32>
    %add3A_157 = arith.addf %mul3A_150, %mul3A_156 : vector<128x2048xf32>
    %slice3A_158 = vector.extract_strided_slice %concatenate3A {offsets = [3, 2], sizes = [1, 1], strides = [1, 1]} : vector<6x5xf32> to vector<1x1xf32>
    %squeeze3A_159 = vector.extract %slice3A_158[0, 0] : f32 from vector<1x1xf32>
    %slice3A_160 = vector.extract_strided_slice %get3A_46 {offsets = [2, 0, 0], sizes = [1, 128, 2048], strides = [1, 1, 1]} : vector<5x128x2048xf32> to vector<1x128x2048xf32>
    %squeeze3A_161 = vector.shape_cast %slice3A_160 : vector<1x128x2048xf32> to vector<128x2048xf32>
    %mul3A_162 = vector.broadcast %squeeze3A_159 : f32 to vector<128x2048xf32>
    %mul3A_163 = arith.mulf %mul3A_162, %squeeze3A_161 : vector<128x2048xf32>
    %add3A_164 = arith.addf %add3A_157, %mul3A_163 : vector<128x2048xf32>
    %slice3A_165 = vector.extract_strided_slice %concatenate3A {offsets = [3, 3], sizes = [1, 1], strides = [1, 1]} : vector<6x5xf32> to vector<1x1xf32>
    %squeeze3A_166 = vector.extract %slice3A_165[0, 0] : f32 from vector<1x1xf32>
    %slice3A_167 = vector.extract_strided_slice %get3A_46 {offsets = [3, 0, 0], sizes = [1, 128, 2048], strides = [1, 1, 1]} : vector<5x128x2048xf32> to vector<1x128x2048xf32>
    %squeeze3A_168 = vector.shape_cast %slice3A_167 : vector<1x128x2048xf32> to vector<128x2048xf32>
    %mul3A_169 = vector.broadcast %squeeze3A_166 : f32 to vector<128x2048xf32>
    %mul3A_170 = arith.mulf %mul3A_169, %squeeze3A_168 : vector<128x2048xf32>
    %add3A_171 = arith.addf %add3A_164, %mul3A_170 : vector<128x2048xf32>
    %slice3A_172 = vector.extract_strided_slice %concatenate3A {offsets = [3, 4], sizes = [1, 1], strides = [1, 1]} : vector<6x5xf32> to vector<1x1xf32>
    %squeeze3A_173 = vector.extract %slice3A_172[0, 0] : f32 from vector<1x1xf32>
    %slice3A_174 = vector.extract_strided_slice %get3A_46 {offsets = [4, 0, 0], sizes = [1, 128, 2048], strides = [1, 1, 1]} : vector<5x128x2048xf32> to vector<1x128x2048xf32>
    %squeeze3A_175 = vector.shape_cast %slice3A_174 : vector<1x128x2048xf32> to vector<128x2048xf32>
    %mul3A_176 = vector.broadcast %squeeze3A_173 : f32 to vector<128x2048xf32>
    %mul3A_177 = arith.mulf %mul3A_176, %squeeze3A_175 : vector<128x2048xf32>
    %add3A_178 = arith.addf %add3A_171, %mul3A_177 : vector<128x2048xf32>
    %slice3A_179 = vector.extract_strided_slice %concatenate3A {offsets = [4, 0], sizes = [1, 1], strides = [1, 1]} : vector<6x5xf32> to vector<1x1xf32>
    %squeeze3A_180 = vector.extract %slice3A_179[0, 0] : f32 from vector<1x1xf32>
    %slice3A_181 = vector.extract_strided_slice %get3A_46 {offsets = [0, 0, 0], sizes = [1, 128, 2048], strides = [1, 1, 1]} : vector<5x128x2048xf32> to vector<1x128x2048xf32>
    %squeeze3A_182 = vector.shape_cast %slice3A_181 : vector<1x128x2048xf32> to vector<128x2048xf32>
    %mul3A_183 = vector.broadcast %squeeze3A_180 : f32 to vector<128x2048xf32>
    %mul3A_184 = arith.mulf %mul3A_183, %squeeze3A_182 : vector<128x2048xf32>
    %slice3A_185 = vector.extract_strided_slice %concatenate3A {offsets = [4, 1], sizes = [1, 1], strides = [1, 1]} : vector<6x5xf32> to vector<1x1xf32>
    %squeeze3A_186 = vector.extract %slice3A_185[0, 0] : f32 from vector<1x1xf32>
    %slice3A_187 = vector.extract_strided_slice %get3A_46 {offsets = [1, 0, 0], sizes = [1, 128, 2048], strides = [1, 1, 1]} : vector<5x128x2048xf32> to vector<1x128x2048xf32>
    %squeeze3A_188 = vector.shape_cast %slice3A_187 : vector<1x128x2048xf32> to vector<128x2048xf32>
    %mul3A_189 = vector.broadcast %squeeze3A_186 : f32 to vector<128x2048xf32>
    %mul3A_190 = arith.mulf %mul3A_189, %squeeze3A_188 : vector<128x2048xf32>
    %add3A_191 = arith.addf %mul3A_184, %mul3A_190 : vector<128x2048xf32>
    %slice3A_192 = vector.extract_strided_slice %concatenate3A {offsets = [4, 2], sizes = [1, 1], strides = [1, 1]} : vector<6x5xf32> to vector<1x1xf32>
    %squeeze3A_193 = vector.extract %slice3A_192[0, 0] : f32 from vector<1x1xf32>
    %slice3A_194 = vector.extract_strided_slice %get3A_46 {offsets = [2, 0, 0], sizes = [1, 128, 2048], strides = [1, 1, 1]} : vector<5x128x2048xf32> to vector<1x128x2048xf32>
    %squeeze3A_195 = vector.shape_cast %slice3A_194 : vector<1x128x2048xf32> to vector<128x2048xf32>
    %mul3A_196 = vector.broadcast %squeeze3A_193 : f32 to vector<128x2048xf32>
    %mul3A_197 = arith.mulf %mul3A_196, %squeeze3A_195 : vector<128x2048xf32>
    %add3A_198 = arith.addf %add3A_191, %mul3A_197 : vector<128x2048xf32>
    %slice3A_199 = vector.extract_strided_slice %concatenate3A {offsets = [4, 3], sizes = [1, 1], strides = [1, 1]} : vector<6x5xf32> to vector<1x1xf32>
    %squeeze3A_200 = vector.extract %slice3A_199[0, 0] : f32 from vector<1x1xf32>
    %slice3A_201 = vector.extract_strided_slice %get3A_46 {offsets = [3, 0, 0], sizes = [1, 128, 2048], strides = [1, 1, 1]} : vector<5x128x2048xf32> to vector<1x128x2048xf32>
    %squeeze3A_202 = vector.shape_cast %slice3A_201 : vector<1x128x2048xf32> to vector<128x2048xf32>
    %mul3A_203 = vector.broadcast %squeeze3A_200 : f32 to vector<128x2048xf32>
    %mul3A_204 = arith.mulf %mul3A_203, %squeeze3A_202 : vector<128x2048xf32>
    %add3A_205 = arith.addf %add3A_198, %mul3A_204 : vector<128x2048xf32>
    %slice3A_206 = vector.extract_strided_slice %concatenate3A {offsets = [4, 4], sizes = [1, 1], strides = [1, 1]} : vector<6x5xf32> to vector<1x1xf32>
    %squeeze3A_207 = vector.extract %slice3A_206[0, 0] : f32 from vector<1x1xf32>
    %slice3A_208 = vector.extract_strided_slice %get3A_46 {offsets = [4, 0, 0], sizes = [1, 128, 2048], strides = [1, 1, 1]} : vector<5x128x2048xf32> to vector<1x128x2048xf32>
    %squeeze3A_209 = vector.shape_cast %slice3A_208 : vector<1x128x2048xf32> to vector<128x2048xf32>
    %mul3A_210 = vector.broadcast %squeeze3A_207 : f32 to vector<128x2048xf32>
    %mul3A_211 = arith.mulf %mul3A_210, %squeeze3A_209 : vector<128x2048xf32>
    %add3A_212 = arith.addf %add3A_205, %mul3A_211 : vector<128x2048xf32>
    %slice3A_213 = vector.extract_strided_slice %concatenate3A {offsets = [5, 0], sizes = [1, 1], strides = [1, 1]} : vector<6x5xf32> to vector<1x1xf32>
    %squeeze3A_214 = vector.extract %slice3A_213[0, 0] : f32 from vector<1x1xf32>
    %slice3A_215 = vector.extract_strided_slice %get3A_46 {offsets = [0, 0, 0], sizes = [1, 128, 2048], strides = [1, 1, 1]} : vector<5x128x2048xf32> to vector<1x128x2048xf32>
    %squeeze3A_216 = vector.shape_cast %slice3A_215 : vector<1x128x2048xf32> to vector<128x2048xf32>
    %mul3A_217 = vector.broadcast %squeeze3A_214 : f32 to vector<128x2048xf32>
    %mul3A_218 = arith.mulf %mul3A_217, %squeeze3A_216 : vector<128x2048xf32>
    %slice3A_219 = vector.extract_strided_slice %concatenate3A {offsets = [5, 1], sizes = [1, 1], strides = [1, 1]} : vector<6x5xf32> to vector<1x1xf32>
    %squeeze3A_220 = vector.extract %slice3A_219[0, 0] : f32 from vector<1x1xf32>
    %slice3A_221 = vector.extract_strided_slice %get3A_46 {offsets = [1, 0, 0], sizes = [1, 128, 2048], strides = [1, 1, 1]} : vector<5x128x2048xf32> to vector<1x128x2048xf32>
    %squeeze3A_222 = vector.shape_cast %slice3A_221 : vector<1x128x2048xf32> to vector<128x2048xf32>
    %mul3A_223 = vector.broadcast %squeeze3A_220 : f32 to vector<128x2048xf32>
    %mul3A_224 = arith.mulf %mul3A_223, %squeeze3A_222 : vector<128x2048xf32>
    %add3A_225 = arith.addf %mul3A_218, %mul3A_224 : vector<128x2048xf32>
    %slice3A_226 = vector.extract_strided_slice %concatenate3A {offsets = [5, 2], sizes = [1, 1], strides = [1, 1]} : vector<6x5xf32> to vector<1x1xf32>
    %squeeze3A_227 = vector.extract %slice3A_226[0, 0] : f32 from vector<1x1xf32>
    %slice3A_228 = vector.extract_strided_slice %get3A_46 {offsets = [2, 0, 0], sizes = [1, 128, 2048], strides = [1, 1, 1]} : vector<5x128x2048xf32> to vector<1x128x2048xf32>
    %squeeze3A_229 = vector.shape_cast %slice3A_228 : vector<1x128x2048xf32> to vector<128x2048xf32>
    %mul3A_230 = vector.broadcast %squeeze3A_227 : f32 to vector<128x2048xf32>
    %mul3A_231 = arith.mulf %mul3A_230, %squeeze3A_229 : vector<128x2048xf32>
    %add3A_232 = arith.addf %add3A_225, %mul3A_231 : vector<128x2048xf32>
    %slice3A_233 = vector.extract_strided_slice %concatenate3A {offsets = [5, 3], sizes = [1, 1], strides = [1, 1]} : vector<6x5xf32> to vector<1x1xf32>
    %squeeze3A_234 = vector.extract %slice3A_233[0, 0] : f32 from vector<1x1xf32>
    %slice3A_235 = vector.extract_strided_slice %get3A_46 {offsets = [3, 0, 0], sizes = [1, 128, 2048], strides = [1, 1, 1]} : vector<5x128x2048xf32> to vector<1x128x2048xf32>
    %squeeze3A_236 = vector.shape_cast %slice3A_235 : vector<1x128x2048xf32> to vector<128x2048xf32>
    %mul3A_237 = vector.broadcast %squeeze3A_234 : f32 to vector<128x2048xf32>
    %mul3A_238 = arith.mulf %mul3A_237, %squeeze3A_236 : vector<128x2048xf32>
    %add3A_239 = arith.addf %add3A_232, %mul3A_238 : vector<128x2048xf32>
    %slice3A_240 = vector.extract_strided_slice %concatenate3A {offsets = [5, 4], sizes = [1, 1], strides = [1, 1]} : vector<6x5xf32> to vector<1x1xf32>
    %squeeze3A_241 = vector.extract %slice3A_240[0, 0] : f32 from vector<1x1xf32>
    %slice3A_242 = vector.extract_strided_slice %get3A_46 {offsets = [4, 0, 0], sizes = [1, 128, 2048], strides = [1, 1, 1]} : vector<5x128x2048xf32> to vector<1x128x2048xf32>
    %squeeze3A_243 = vector.shape_cast %slice3A_242 : vector<1x128x2048xf32> to vector<128x2048xf32>
    %mul3A_244 = vector.broadcast %squeeze3A_241 : f32 to vector<128x2048xf32>
    %mul3A_245 = arith.mulf %mul3A_244, %squeeze3A_243 : vector<128x2048xf32>
    %add3A_246 = arith.addf %add3A_239, %mul3A_245 : vector<128x2048xf32>
    %stack3A = vector.shape_cast %add3A_76 : vector<128x2048xf32> to vector<1x128x2048xf32>
    %stack3A_247 = vector.shape_cast %add3A_110 : vector<128x2048xf32> to vector<1x128x2048xf32>
    %stack3A_248 = vector.shape_cast %add3A_144 : vector<128x2048xf32> to vector<1x128x2048xf32>
    %stack3A_249 = vector.shape_cast %add3A_178 : vector<128x2048xf32> to vector<1x128x2048xf32>
    %stack3A_250 = vector.shape_cast %add3A_212 : vector<128x2048xf32> to vector<1x128x2048xf32>
    %stack3A_251 = vector.shape_cast %add3A_246 : vector<128x2048xf32> to vector<1x128x2048xf32>
    %stack3A_252 = tpu.concatenate %stack3A, %stack3A_247, %stack3A_248, %stack3A_249, %stack3A_250, %stack3A_251 in 0 : vector<1x128x2048xf32>, vector<1x128x2048xf32>, vector<1x128x2048xf32>, vector<1x128x2048xf32>, vector<1x128x2048xf32>, vector<1x128x2048xf32> -> vector<6x128x2048xf32>
    %convert_element_type3A = arith.truncf %stack3A_252 : vector<6x128x2048xf32> to vector<6x128x2048xbf16>
    %swap3A = arith.constant 0 : index
    %swap3A_253 = arith.constant 0 : index
    %swap3A_254 = arith.constant 0 : index
    %swap3A_255 = vector.load %arg5[%swap3A, %swap3A_253, %swap3A_254] : memref<6x128x2048xbf16, #tpu.memory_space<vmem>>, vector<6x128x2048xbf16>
    tpu.vector_store %arg5[%swap3A, %swap3A_253, %swap3A_254], %convert_element_type3A {strides = array<i32>} : memref<6x128x2048xbf16, #tpu.memory_space<vmem>>, vector<6x128x2048xbf16>,
    %eq3A = arith.constant 0 : i32
    %eq3A_256 = arith.cmpi eq, %arg0, %eq3A : i32
    %convert_element_type3A_257 = arith.extui %eq3A_256 : i1 to i32
    %cond3A = arith.constant 0 : i32
    %cond3A_258 = arith.cmpi ne, %convert_element_type3A_257, %cond3A : i32
    scf.if %cond3A_258 {
      %broadcast_in_dim3A_272 = arith.constant 0.000000e+00 : f32
      %broadcast_in_dim3A_273 = vector.broadcast %broadcast_in_dim3A_272 : f32 to vector<2x1x2048xf32>
      %swap3A_274 = arith.constant 0 : index
      %swap3A_275 = arith.constant 0 : index
      %swap3A_276 = arith.constant 0 : index
      %swap3A_277 = vector.load %arg6[%swap3A_274, %swap3A_275, %swap3A_276] : memref<2x1x2048xf32, #tpu.memory_space<vmem>>, vector<2x1x2048xf32>
      tpu.vector_store %arg6[%swap3A_274, %swap3A_275, %swap3A_276], %broadcast_in_dim3A_273 {strides = array<i32>} : memref<2x1x2048xf32, #tpu.memory_space<vmem>>, vector<2x1x2048xf32>,
    } else {
    }
    %get3A_259 = arith.constant 0 : index
    %get3A_260 = arith.constant 0 : index
    %get3A_261 = arith.constant 0 : index
    %get3A_262 = vector.load %arg6[%get3A_259, %get3A_260, %get3A_261] : memref<2x1x2048xf32, #tpu.memory_space<vmem>>, vector<2x1x2048xf32>
    %slice3A_263 = vector.extract_strided_slice %stack3A_252 {offsets = [0, 0, 0], sizes = [2, 128, 2048], strides = [1, 1, 1]} : vector<6x128x2048xf32> to vector<2x128x2048xf32>
    %reduce_sum3A_264 = arith.constant dense<0.000000e+00> : vector<2x2048xf32>
    %reduce_sum3A_265 = vector.multi_reduction <add>, %slice3A_263, %reduce_sum3A_264 [1] : vector<2x128x2048xf32> to vector<2x2048xf32>
    %broadcast_in_dim3A_266 = vector.shape_cast %reduce_sum3A_265 : vector<2x2048xf32> to vector<2x1x2048xf32>
    %add3A_267 = arith.addf %get3A_262, %broadcast_in_dim3A_266 : vector<2x1x2048xf32>
    %swap3A_268 = arith.constant 0 : index
    %swap3A_269 = arith.constant 0 : index
    %swap3A_270 = arith.constant 0 : index
    %swap3A_271 = vector.load %arg6[%swap3A_268, %swap3A_269, %swap3A_270] : memref<2x1x2048xf32, #tpu.memory_space<vmem>>, vector<2x1x2048xf32>
    tpu.vector_store %arg6[%swap3A_268, %swap3A_269, %swap3A_270], %add3A_267 {strides = array<i32>} : memref<2x1x2048xf32, #tpu.memory_space<vmem>>, vector<2x1x2048xf32>,
    return
  }
  func.func @transform_0(%arg0: i32) -> (i32, i32) {
    %c0_i32 = arith.constant 0 : i32
    %c0_i32_0 = arith.constant 0 : i32
    %c0_i32_1 = arith.constant 0 : i32
    return %c0_i32, %c0_i32_0 : i32, i32
  }
  func.func @transform_1(%arg0: i32) -> (i32, i32) {
    %c0_i32 = arith.constant 0 : i32
    %c0_i32_0 = arith.constant 0 : i32
    %c0_i32_1 = arith.constant 0 : i32
    return %c0_i32, %c0_i32_0 : i32, i32
  }
  func.func @transform_2(%arg0: i32) -> (i32, i32) {
    %c0_i32 = arith.constant 0 : i32
    %c0_i32_0 = arith.constant 0 : i32
    %c0_i32_1 = arith.constant 0 : i32
    return %c0_i32, %c0_i32_0 : i32, i32
  }
  func.func @transform_3(%arg0: i32) -> (i32, i32, i32) {
    %c0_i32 = arith.constant 0 : i32
    %c0_i32_0 = arith.constant 0 : i32
    %c0_i32_1 = arith.constant 0 : i32
    return %c0_i32, %arg0, %c0_i32_0 : i32, i32, i32
  }
  func.func @transform_4(%arg0: i32) -> (i32, i32, i32) {
    %c0_i32 = arith.constant 0 : i32
    %c0_i32_0 = arith.constant 0 : i32
    %c0_i32_1 = arith.constant 0 : i32
    return %c0_i32, %arg0, %c0_i32_0 : i32, i32, i32
  }
  func.func @transform_5(%arg0: i32) -> (i32, i32, i32) {
    %c0_i32 = arith.constant 0 : i32
    %c0_i32_0 = arith.constant 0 : i32
    %c0_i32_1 = arith.constant 0 : i32
    %c0_i32_2 = arith.constant 0 : i32
    return %c0_i32, %c0_i32_0, %c0_i32_1 : i32, i32, i32
  }
}

module attributes {stable_mosaic.version = 14 : i64} {
  func.func @_mvt_body(%arg0: i32, %arg1: i32, %arg2: memref<1x256x2048xbf16, #tpu.memory_space<vmem>>, %arg3: memref<1x1x256xf32, #tpu.memory_space<vmem>>, %arg4: memref<1x1x256xf32, #tpu.memory_space<vmem>>, %arg5: memref<1x1x2048xf32, #tpu.memory_space<vmem>>) attributes {dimension_semantics = [#tpu.dimension_semantics<arbitrary>, #tpu.dimension_semantics<arbitrary>], iteration_bounds = array<i64: 2, 8>, scalar_prefetch = 0 : i64, scratch_operands = 0 : i64, tpu.core_type = #tpu.core_type<tc>, window_params = [{transform_indices = @transform_0, window_bounds = array<i64: 1, 256, 2048>}, {transform_indices = @transform_1, window_bounds = array<i64: 1, 1, 256>}, {transform_indices = @transform_2, window_bounds = array<i64: 1, 1, 256>}, {transform_indices = @transform_3, window_bounds = array<i64: 1, 1, 2048>}]} {
    %get3A = arith.constant 0 : index
    %get3A_0 = arith.constant 0 : index
    %get3A_1 = arith.constant 0 : index
    %get3A_2 = vector.load %arg3[%get3A, %get3A_0, %get3A_1] : memref<1x1x256xf32, #tpu.memory_space<vmem>>, vector<1x1x256xf32>
    %squeeze3A = vector.shape_cast %get3A_2 : vector<1x1x256xf32> to vector<1x256xf32>
    %convert_element_type3A = arith.truncf %squeeze3A : vector<1x256xf32> to vector<1x256xbf16>
    %get3A_3 = arith.constant 0 : index
    %get3A_4 = arith.constant 0 : index
    %get3A_5 = arith.constant 0 : index
    %get3A_6 = vector.load %arg2[%get3A_3, %get3A_4, %get3A_5] : memref<1x256x2048xbf16, #tpu.memory_space<vmem>>, vector<1x256x2048xbf16>
    %get3A_7 = vector.shape_cast %get3A_6 : vector<1x256x2048xbf16> to vector<256x2048xbf16>
    %dot_general3A = arith.constant dense<0.000000e+00> : vector<1x2048xf32>
    %dot_general3A_8 = tpu.matmul %convert_element_type3A, %get3A_7, %dot_general3A {dimension_numbers = #tpu.dot_dimension_numbers<[1], [0], [0], [1], [0, 0, 1, 1], [], []>, transpose_lhs_hint = false} : vector<1x256xbf16>, vector<256x2048xbf16>, vector<1x2048xf32> -> vector<1x2048xf32>
    %eq3A = arith.constant 0 : i32
    %eq3A_9 = arith.cmpi eq, %arg1, %eq3A : i32
    %convert_element_type3A_10 = arith.extui %eq3A_9 : i1 to i32
    %cond3A = arith.constant 0 : i32
    %cond3A_11 = arith.cmpi ne, %convert_element_type3A_10, %cond3A : i32
    scf.if %cond3A_11 {
      %broadcast_in_dim3A_19 = arith.constant 0.000000e+00 : f32
      %broadcast_in_dim3A_20 = vector.broadcast %broadcast_in_dim3A_19 : f32 to vector<1x1x2048xf32>
      %swap3A_21 = arith.constant 0 : index
      %swap3A_22 = arith.constant 0 : index
      %swap3A_23 = arith.constant 0 : index
      %swap3A_24 = vector.load %arg5[%swap3A_21, %swap3A_22, %swap3A_23] : memref<1x1x2048xf32, #tpu.memory_space<vmem>>, vector<1x1x2048xf32>
      tpu.vector_store %arg5[%swap3A_21, %swap3A_22, %swap3A_23], %broadcast_in_dim3A_20 {strides = array<i32>} : memref<1x1x2048xf32, #tpu.memory_space<vmem>>, vector<1x1x2048xf32>,
    } else {
    }
    %get3A_12 = arith.constant 0 : index
    %get3A_13 = arith.constant 0 : index
    %get3A_14 = arith.constant 0 : index
    %get3A_15 = vector.load %arg5[%get3A_12, %get3A_13, %get3A_14] : memref<1x1x2048xf32, #tpu.memory_space<vmem>>, vector<1x1x2048xf32>
    %broadcast_in_dim3A = vector.shape_cast %dot_general3A_8 : vector<1x2048xf32> to vector<1x1x2048xf32>
    %add3A = arith.addf %get3A_15, %broadcast_in_dim3A : vector<1x1x2048xf32>
    %swap3A = arith.constant 0 : index
    %swap3A_16 = arith.constant 0 : index
    %swap3A_17 = arith.constant 0 : index
    %swap3A_18 = vector.load %arg5[%swap3A, %swap3A_16, %swap3A_17] : memref<1x1x2048xf32, #tpu.memory_space<vmem>>, vector<1x1x2048xf32>
    tpu.vector_store %arg5[%swap3A, %swap3A_16, %swap3A_17], %add3A {strides = array<i32>} : memref<1x1x2048xf32, #tpu.memory_space<vmem>>, vector<1x1x2048xf32>,
    return
  }
  func.func @transform_0(%arg0: i32, %arg1: i32) -> (i32, i32, i32) {
    %add3A = arith.constant 2 : i32
    %add3A_0 = arith.addi %add3A, %arg0 : i32
    %c0_i32 = arith.constant 0 : i32
    %c0_i32_1 = arith.constant 0 : i32
    return %add3A_0, %arg1, %c0_i32 : i32, i32, i32
  }
  func.func @transform_1(%arg0: i32, %arg1: i32) -> (i32, i32, i32) {
    %c0_i32 = arith.constant 0 : i32
    %c0_i32_0 = arith.constant 0 : i32
    return %arg0, %c0_i32, %arg1 : i32, i32, i32
  }
  func.func @transform_2(%arg0: i32, %arg1: i32) -> (i32, i32, i32) {
    %c0_i32 = arith.constant 0 : i32
    %c0_i32_0 = arith.constant 0 : i32
    return %arg0, %c0_i32, %arg1 : i32, i32, i32
  }
  func.func @transform_3(%arg0: i32, %arg1: i32) -> (i32, i32, i32) {
    %c0_i32 = arith.constant 0 : i32
    %c0_i32_0 = arith.constant 0 : i32
    %c0_i32_1 = arith.constant 0 : i32
    return %arg0, %c0_i32, %c0_i32_0 : i32, i32, i32
  }
}

module attributes {stable_mosaic.version = 14 : i64} {
  func.func @_mvt_body(%arg0: i32, %arg1: i32, %arg2: memref<1x256x2048xbf16, #tpu.memory_space<vmem>>, %arg3: memref<1x1x256xf32, #tpu.memory_space<vmem>>, %arg4: memref<1x1x256xf32, #tpu.memory_space<vmem>>, %arg5: memref<1x1x2048xf32, #tpu.memory_space<vmem>>) attributes {dimension_semantics = [#tpu.dimension_semantics<arbitrary>, #tpu.dimension_semantics<arbitrary>], iteration_bounds = array<i64: 2, 8>, scalar_prefetch = 0 : i64, scratch_operands = 0 : i64, tpu.core_type = #tpu.core_type<tc>, window_params = [{transform_indices = @transform_0, window_bounds = array<i64: 1, 256, 2048>}, {transform_indices = @transform_1, window_bounds = array<i64: 1, 1, 256>}, {transform_indices = @transform_2, window_bounds = array<i64: 1, 1, 256>}, {transform_indices = @transform_3, window_bounds = array<i64: 1, 1, 2048>}]} {
    %get3A = arith.constant 0 : index
    %get3A_0 = arith.constant 0 : index
    %get3A_1 = arith.constant 0 : index
    %get3A_2 = vector.load %arg3[%get3A, %get3A_0, %get3A_1] : memref<1x1x256xf32, #tpu.memory_space<vmem>>, vector<1x1x256xf32>
    %gt3A = arith.constant 0.000000e+00 : f32
    %gt3A_3 = vector.broadcast %gt3A : f32 to vector<1x1x256xf32>
    %gt3A_4 = arith.cmpf ogt, %get3A_2, %gt3A_3 : vector<1x1x256xf32>
    %convert_element_type3A = arith.extui %gt3A_4 : vector<1x1x256xi1> to vector<1x1x256xi32>
    %convert_element_type3A_5 = arith.sitofp %convert_element_type3A : vector<1x1x256xi32> to vector<1x1x256xf32>
    %squeeze3A = vector.shape_cast %convert_element_type3A_5 : vector<1x1x256xf32> to vector<1x256xf32>
    %convert_element_type3A_6 = arith.truncf %squeeze3A : vector<1x256xf32> to vector<1x256xbf16>
    %get3A_7 = arith.constant 0 : index
    %get3A_8 = arith.constant 0 : index
    %get3A_9 = arith.constant 0 : index
    %get3A_10 = vector.load %arg2[%get3A_7, %get3A_8, %get3A_9] : memref<1x256x2048xbf16, #tpu.memory_space<vmem>>, vector<1x256x2048xbf16>
    %get3A_11 = vector.shape_cast %get3A_10 : vector<1x256x2048xbf16> to vector<256x2048xbf16>
    %dot_general3A = arith.constant dense<0.000000e+00> : vector<1x2048xf32>
    %dot_general3A_12 = tpu.matmul %convert_element_type3A_6, %get3A_11, %dot_general3A {dimension_numbers = #tpu.dot_dimension_numbers<[1], [0], [0], [1], [0, 0, 1, 1], [], []>, transpose_lhs_hint = false} : vector<1x256xbf16>, vector<256x2048xbf16>, vector<1x2048xf32> -> vector<1x2048xf32>
    %eq3A = arith.constant 0 : i32
    %eq3A_13 = arith.cmpi eq, %arg1, %eq3A : i32
    %convert_element_type3A_14 = arith.extui %eq3A_13 : i1 to i32
    %cond3A = arith.constant 0 : i32
    %cond3A_15 = arith.cmpi ne, %convert_element_type3A_14, %cond3A : i32
    scf.if %cond3A_15 {
      %broadcast_in_dim3A_23 = arith.constant 0.000000e+00 : f32
      %broadcast_in_dim3A_24 = vector.broadcast %broadcast_in_dim3A_23 : f32 to vector<1x1x2048xf32>
      %swap3A_25 = arith.constant 0 : index
      %swap3A_26 = arith.constant 0 : index
      %swap3A_27 = arith.constant 0 : index
      %swap3A_28 = vector.load %arg5[%swap3A_25, %swap3A_26, %swap3A_27] : memref<1x1x2048xf32, #tpu.memory_space<vmem>>, vector<1x1x2048xf32>
      tpu.vector_store %arg5[%swap3A_25, %swap3A_26, %swap3A_27], %broadcast_in_dim3A_24 {strides = array<i32>} : memref<1x1x2048xf32, #tpu.memory_space<vmem>>, vector<1x1x2048xf32>,
    } else {
    }
    %get3A_16 = arith.constant 0 : index
    %get3A_17 = arith.constant 0 : index
    %get3A_18 = arith.constant 0 : index
    %get3A_19 = vector.load %arg5[%get3A_16, %get3A_17, %get3A_18] : memref<1x1x2048xf32, #tpu.memory_space<vmem>>, vector<1x1x2048xf32>
    %broadcast_in_dim3A = vector.shape_cast %dot_general3A_12 : vector<1x2048xf32> to vector<1x1x2048xf32>
    %add3A = arith.addf %get3A_19, %broadcast_in_dim3A : vector<1x1x2048xf32>
    %swap3A = arith.constant 0 : index
    %swap3A_20 = arith.constant 0 : index
    %swap3A_21 = arith.constant 0 : index
    %swap3A_22 = vector.load %arg5[%swap3A, %swap3A_20, %swap3A_21] : memref<1x1x2048xf32, #tpu.memory_space<vmem>>, vector<1x1x2048xf32>
    tpu.vector_store %arg5[%swap3A, %swap3A_20, %swap3A_21], %add3A {strides = array<i32>} : memref<1x1x2048xf32, #tpu.memory_space<vmem>>, vector<1x1x2048xf32>,
    return
  }
  func.func @transform_0(%arg0: i32, %arg1: i32) -> (i32, i32, i32) {
    %add3A = arith.constant 4 : i32
    %add3A_0 = arith.addi %add3A, %arg0 : i32
    %c0_i32 = arith.constant 0 : i32
    %c0_i32_1 = arith.constant 0 : i32
    return %add3A_0, %arg1, %c0_i32 : i32, i32, i32
  }
  func.func @transform_1(%arg0: i32, %arg1: i32) -> (i32, i32, i32) {
    %c0_i32 = arith.constant 0 : i32
    %c0_i32_0 = arith.constant 0 : i32
    return %arg0, %c0_i32, %arg1 : i32, i32, i32
  }
  func.func @transform_2(%arg0: i32, %arg1: i32) -> (i32, i32, i32) {
    %c0_i32 = arith.constant 0 : i32
    %c0_i32_0 = arith.constant 0 : i32
    return %arg0, %c0_i32, %arg1 : i32, i32, i32
  }
  func.func @transform_3(%arg0: i32, %arg1: i32) -> (i32, i32, i32) {
    %c0_i32 = arith.constant 0 : i32
    %c0_i32_0 = arith.constant 0 : i32
    %c0_i32_1 = arith.constant 0 : i32
    return %arg0, %c0_i32, %c0_i32_0 : i32, i32, i32
  }
}

module attributes {stable_mosaic.version = 14 : i64} {
  func.func @_mvn_body(%arg0: i32, %arg1: i32, %arg2: memref<1x256x2048xbf16, #tpu.memory_space<vmem>>, %arg3: memref<1x1x2048xf32, #tpu.memory_space<vmem>>, %arg4: memref<1x1x2048xf32, #tpu.memory_space<vmem>>, %arg5: memref<1x1x256xf32, #tpu.memory_space<vmem>>) attributes {dimension_semantics = [#tpu.dimension_semantics<arbitrary>, #tpu.dimension_semantics<arbitrary>], iteration_bounds = array<i64: 2, 8>, scalar_prefetch = 0 : i64, scratch_operands = 0 : i64, tpu.core_type = #tpu.core_type<tc>, window_params = [{transform_indices = @transform_0, window_bounds = array<i64: 1, 256, 2048>}, {transform_indices = @transform_1, window_bounds = array<i64: 1, 1, 2048>}, {transform_indices = @transform_2, window_bounds = array<i64: 1, 1, 2048>}, {transform_indices = @transform_3, window_bounds = array<i64: 1, 1, 256>}]} {
    %get3A = arith.constant 0 : index
    %get3A_0 = arith.constant 0 : index
    %get3A_1 = arith.constant 0 : index
    %get3A_2 = vector.load %arg3[%get3A, %get3A_0, %get3A_1] : memref<1x1x2048xf32, #tpu.memory_space<vmem>>, vector<1x1x2048xf32>
    %gt3A = arith.constant 0.000000e+00 : f32
    %gt3A_3 = vector.broadcast %gt3A : f32 to vector<1x1x2048xf32>
    %gt3A_4 = arith.cmpf ogt, %get3A_2, %gt3A_3 : vector<1x1x2048xf32>
    %gt3A_5 = arith.constant 0.000000e+00 : f32
    %gt3A_6 = vector.broadcast %gt3A_5 : f32 to vector<1x1x2048xf32>
    %gt3A_7 = arith.cmpf ogt, %get3A_2, %gt3A_6 : vector<1x1x2048xf32>
    %jit3A = arith.constant 1.000000e+00 : f32
    %broadcast_in_dim3A = vector.broadcast %jit3A : f32 to vector<1x1x2048xf32>
    %select_n3A = arith.select %gt3A_7, %get3A_2, %broadcast_in_dim3A : vector<1x1x2048xi1>, vector<1x1x2048xf32>
    %div3A = arith.constant 1.000000e+00 : f32
    %div3A_8 = vector.broadcast %div3A : f32 to vector<1x1x2048xf32>
    %div3A_9 = arith.divf %div3A_8, %select_n3A : vector<1x1x2048xf32>
    %jit3A_10 = arith.constant 0.000000e+00 : f32
    %broadcast_in_dim3A_11 = vector.broadcast %jit3A_10 : f32 to vector<1x1x2048xf32>
    %select_n3A_12 = arith.select %gt3A_4, %div3A_9, %broadcast_in_dim3A_11 : vector<1x1x2048xi1>, vector<1x1x2048xf32>
    %squeeze3A = vector.shape_cast %select_n3A_12 : vector<1x1x2048xf32> to vector<2048xf32>
    %convert_element_type3A = arith.truncf %squeeze3A : vector<2048xf32> to vector<2048xbf16>
    %get3A_13 = arith.constant 0 : index
    %get3A_14 = arith.constant 0 : index
    %get3A_15 = arith.constant 0 : index
    %get3A_16 = vector.load %arg2[%get3A_13, %get3A_14, %get3A_15] : memref<1x256x2048xbf16, #tpu.memory_space<vmem>>, vector<1x256x2048xbf16>
    %get3A_17 = vector.shape_cast %get3A_16 : vector<1x256x2048xbf16> to vector<256x2048xbf16>
    %dot_general3A = arith.constant dense<0.000000e+00> : vector<256xf32>
    %dot_general3A_18 = tpu.matmul %get3A_17, %convert_element_type3A, %dot_general3A {dimension_numbers = #tpu.dot_dimension_numbers<[1], [0], [0], [], [0, 0], [], []>, transpose_lhs_hint = false} : vector<256x2048xbf16>, vector<2048xbf16>, vector<256xf32> -> vector<256xf32>
    %broadcast_in_dim3A_19 = vector.shape_cast %dot_general3A_18 : vector<256xf32> to vector<1x1x256xf32>
    %swap3A = arith.constant 0 : index
    %swap3A_20 = arith.constant 0 : index
    %swap3A_21 = arith.constant 0 : index
    %swap3A_22 = vector.load %arg5[%swap3A, %swap3A_20, %swap3A_21] : memref<1x1x256xf32, #tpu.memory_space<vmem>>, vector<1x1x256xf32>
    tpu.vector_store %arg5[%swap3A, %swap3A_20, %swap3A_21], %broadcast_in_dim3A_19 {strides = array<i32>} : memref<1x1x256xf32, #tpu.memory_space<vmem>>, vector<1x1x256xf32>,
    return
  }
  func.func @transform_0(%arg0: i32, %arg1: i32) -> (i32, i32, i32) {
    %add3A = arith.constant 4 : i32
    %add3A_0 = arith.addi %add3A, %arg0 : i32
    %c0_i32 = arith.constant 0 : i32
    %c0_i32_1 = arith.constant 0 : i32
    return %add3A_0, %arg1, %c0_i32 : i32, i32, i32
  }
  func.func @transform_1(%arg0: i32, %arg1: i32) -> (i32, i32, i32) {
    %c0_i32 = arith.constant 0 : i32
    %c0_i32_0 = arith.constant 0 : i32
    %c0_i32_1 = arith.constant 0 : i32
    return %arg0, %c0_i32, %c0_i32_0 : i32, i32, i32
  }
  func.func @transform_2(%arg0: i32, %arg1: i32) -> (i32, i32, i32) {
    %c0_i32 = arith.constant 0 : i32
    %c0_i32_0 = arith.constant 0 : i32
    %c0_i32_1 = arith.constant 0 : i32
    return %arg0, %c0_i32, %c0_i32_0 : i32, i32, i32
  }
  func.func @transform_3(%arg0: i32, %arg1: i32) -> (i32, i32, i32) {
    %c0_i32 = arith.constant 0 : i32
    %c0_i32_0 = arith.constant 0 : i32
    return %arg0, %c0_i32, %arg1 : i32, i32, i32
  }
}

module attributes {stable_mosaic.version = 14 : i64} {
  func.func @_mvn_body(%arg0: i32, %arg1: i32, %arg2: memref<1x256x2048xbf16, #tpu.memory_space<vmem>>, %arg3: memref<1x1x2048xf32, #tpu.memory_space<vmem>>, %arg4: memref<1x1x2048xf32, #tpu.memory_space<vmem>>, %arg5: memref<1x1x256xf32, #tpu.memory_space<vmem>>) attributes {dimension_semantics = [#tpu.dimension_semantics<arbitrary>, #tpu.dimension_semantics<arbitrary>], iteration_bounds = array<i64: 2, 8>, scalar_prefetch = 0 : i64, scratch_operands = 0 : i64, tpu.core_type = #tpu.core_type<tc>, window_params = [{transform_indices = @transform_0, window_bounds = array<i64: 1, 256, 2048>}, {transform_indices = @transform_1, window_bounds = array<i64: 1, 1, 2048>}, {transform_indices = @transform_2, window_bounds = array<i64: 1, 1, 2048>}, {transform_indices = @transform_3, window_bounds = array<i64: 1, 1, 256>}]} {
    %get3A = arith.constant 0 : index
    %get3A_0 = arith.constant 0 : index
    %get3A_1 = arith.constant 0 : index
    %get3A_2 = vector.load %arg3[%get3A, %get3A_0, %get3A_1] : memref<1x1x2048xf32, #tpu.memory_space<vmem>>, vector<1x1x2048xf32>
    %get3A_3 = arith.constant 0 : index
    %get3A_4 = arith.constant 0 : index
    %get3A_5 = arith.constant 0 : index
    %get3A_6 = vector.load %arg4[%get3A_3, %get3A_4, %get3A_5] : memref<1x1x2048xf32, #tpu.memory_space<vmem>>, vector<1x1x2048xf32>
    %gt3A = arith.constant 0.000000e+00 : f32
    %gt3A_7 = vector.broadcast %gt3A : f32 to vector<1x1x2048xf32>
    %gt3A_8 = arith.cmpf ogt, %get3A_2, %gt3A_7 : vector<1x1x2048xf32>
    %gt3A_9 = arith.constant 0.000000e+00 : f32
    %gt3A_10 = vector.broadcast %gt3A_9 : f32 to vector<1x1x2048xf32>
    %gt3A_11 = arith.cmpf ogt, %get3A_2, %gt3A_10 : vector<1x1x2048xf32>
    %jit3A = arith.constant 1.000000e+00 : f32
    %broadcast_in_dim3A = vector.broadcast %jit3A : f32 to vector<1x1x2048xf32>
    %select_n3A = arith.select %gt3A_11, %get3A_2, %broadcast_in_dim3A : vector<1x1x2048xi1>, vector<1x1x2048xf32>
    %div3A = arith.constant 1.000000e+00 : f32
    %div3A_12 = vector.broadcast %div3A : f32 to vector<1x1x2048xf32>
    %div3A_13 = arith.divf %div3A_12, %select_n3A : vector<1x1x2048xf32>
    %jit3A_14 = arith.constant 0.000000e+00 : f32
    %broadcast_in_dim3A_15 = vector.broadcast %jit3A_14 : f32 to vector<1x1x2048xf32>
    %select_n3A_16 = arith.select %gt3A_8, %div3A_13, %broadcast_in_dim3A_15 : vector<1x1x2048xi1>, vector<1x1x2048xf32>
    %mul3A = arith.mulf %select_n3A_16, %get3A_6 : vector<1x1x2048xf32>
    %squeeze3A = vector.shape_cast %mul3A : vector<1x1x2048xf32> to vector<2048xf32>
    %convert_element_type3A = arith.truncf %squeeze3A : vector<2048xf32> to vector<2048xbf16>
    %get3A_17 = arith.constant 0 : index
    %get3A_18 = arith.constant 0 : index
    %get3A_19 = arith.constant 0 : index
    %get3A_20 = vector.load %arg2[%get3A_17, %get3A_18, %get3A_19] : memref<1x256x2048xbf16, #tpu.memory_space<vmem>>, vector<1x256x2048xbf16>
    %get3A_21 = vector.shape_cast %get3A_20 : vector<1x256x2048xbf16> to vector<256x2048xbf16>
    %dot_general3A = arith.constant dense<0.000000e+00> : vector<256xf32>
    %dot_general3A_22 = tpu.matmul %get3A_21, %convert_element_type3A, %dot_general3A {dimension_numbers = #tpu.dot_dimension_numbers<[1], [0], [0], [], [0, 0], [], []>, transpose_lhs_hint = false} : vector<256x2048xbf16>, vector<2048xbf16>, vector<256xf32> -> vector<256xf32>
    %broadcast_in_dim3A_23 = vector.shape_cast %dot_general3A_22 : vector<256xf32> to vector<1x1x256xf32>
    %swap3A = arith.constant 0 : index
    %swap3A_24 = arith.constant 0 : index
    %swap3A_25 = arith.constant 0 : index
    %swap3A_26 = vector.load %arg5[%swap3A, %swap3A_24, %swap3A_25] : memref<1x1x256xf32, #tpu.memory_space<vmem>>, vector<1x1x256xf32>
    tpu.vector_store %arg5[%swap3A, %swap3A_24, %swap3A_25], %broadcast_in_dim3A_23 {strides = array<i32>} : memref<1x1x256xf32, #tpu.memory_space<vmem>>, vector<1x1x256xf32>,
    return
  }
  func.func @transform_0(%arg0: i32, %arg1: i32) -> (i32, i32, i32) {
    %add3A = arith.constant 2 : i32
    %add3A_0 = arith.addi %add3A, %arg0 : i32
    %c0_i32 = arith.constant 0 : i32
    %c0_i32_1 = arith.constant 0 : i32
    return %add3A_0, %arg1, %c0_i32 : i32, i32, i32
  }
  func.func @transform_1(%arg0: i32, %arg1: i32) -> (i32, i32, i32) {
    %c0_i32 = arith.constant 0 : i32
    %c0_i32_0 = arith.constant 0 : i32
    %c0_i32_1 = arith.constant 0 : i32
    return %arg0, %c0_i32, %c0_i32_0 : i32, i32, i32
  }
  func.func @transform_2(%arg0: i32, %arg1: i32) -> (i32, i32, i32) {
    %c0_i32 = arith.constant 0 : i32
    %c0_i32_0 = arith.constant 0 : i32
    %c0_i32_1 = arith.constant 0 : i32
    return %arg0, %c0_i32, %c0_i32_0 : i32, i32, i32
  }
  func.func @transform_3(%arg0: i32, %arg1: i32) -> (i32, i32, i32) {
    %c0_i32 = arith.constant 0 : i32
    %c0_i32_0 = arith.constant 0 : i32
    return %arg0, %c0_i32, %arg1 : i32, i32, i32
  }
}

module attributes {stable_mosaic.version = 14 : i64} {
  func.func @_mvn_body(%arg0: i32, %arg1: i32, %arg2: memref<1x256x2048xbf16, #tpu.memory_space<vmem>>, %arg3: memref<1x1x2048xf32, #tpu.memory_space<vmem>>, %arg4: memref<1x1x2048xf32, #tpu.memory_space<vmem>>, %arg5: memref<1x1x256xf32, #tpu.memory_space<vmem>>) attributes {dimension_semantics = [#tpu.dimension_semantics<arbitrary>, #tpu.dimension_semantics<arbitrary>], iteration_bounds = array<i64: 2, 8>, scalar_prefetch = 0 : i64, scratch_operands = 0 : i64, tpu.core_type = #tpu.core_type<tc>, window_params = [{transform_indices = @transform_0, window_bounds = array<i64: 1, 256, 2048>}, {transform_indices = @transform_1, window_bounds = array<i64: 1, 1, 2048>}, {transform_indices = @transform_2, window_bounds = array<i64: 1, 1, 2048>}, {transform_indices = @transform_3, window_bounds = array<i64: 1, 1, 256>}]} {
    %get3A = arith.constant 0 : index
    %get3A_0 = arith.constant 0 : index
    %get3A_1 = arith.constant 0 : index
    %get3A_2 = vector.load %arg3[%get3A, %get3A_0, %get3A_1] : memref<1x1x2048xf32, #tpu.memory_space<vmem>>, vector<1x1x2048xf32>
    %squeeze3A = vector.shape_cast %get3A_2 : vector<1x1x2048xf32> to vector<2048xf32>
    %convert_element_type3A = arith.truncf %squeeze3A : vector<2048xf32> to vector<2048xbf16>
    %get3A_3 = arith.constant 0 : index
    %get3A_4 = arith.constant 0 : index
    %get3A_5 = arith.constant 0 : index
    %get3A_6 = vector.load %arg2[%get3A_3, %get3A_4, %get3A_5] : memref<1x256x2048xbf16, #tpu.memory_space<vmem>>, vector<1x256x2048xbf16>
    %get3A_7 = vector.shape_cast %get3A_6 : vector<1x256x2048xbf16> to vector<256x2048xbf16>
    %dot_general3A = arith.constant dense<0.000000e+00> : vector<256xf32>
    %dot_general3A_8 = tpu.matmul %get3A_7, %convert_element_type3A, %dot_general3A {dimension_numbers = #tpu.dot_dimension_numbers<[1], [0], [0], [], [0, 0], [], []>, transpose_lhs_hint = false} : vector<256x2048xbf16>, vector<2048xbf16>, vector<256xf32> -> vector<256xf32>
    %broadcast_in_dim3A = vector.shape_cast %dot_general3A_8 : vector<256xf32> to vector<1x1x256xf32>
    %swap3A = arith.constant 0 : index
    %swap3A_9 = arith.constant 0 : index
    %swap3A_10 = arith.constant 0 : index
    %swap3A_11 = vector.load %arg5[%swap3A, %swap3A_9, %swap3A_10] : memref<1x1x256xf32, #tpu.memory_space<vmem>>, vector<1x1x256xf32>
    tpu.vector_store %arg5[%swap3A, %swap3A_9, %swap3A_10], %broadcast_in_dim3A {strides = array<i32>} : memref<1x1x256xf32, #tpu.memory_space<vmem>>, vector<1x1x256xf32>,
    return
  }
  func.func @transform_0(%arg0: i32, %arg1: i32) -> (i32, i32, i32) {
    %add3A = arith.constant 0 : i32
    %add3A_0 = arith.addi %add3A, %arg0 : i32
    %c0_i32 = arith.constant 0 : i32
    %c0_i32_1 = arith.constant 0 : i32
    return %add3A_0, %arg1, %c0_i32 : i32, i32, i32
  }
  func.func @transform_1(%arg0: i32, %arg1: i32) -> (i32, i32, i32) {
    %c0_i32 = arith.constant 0 : i32
    %c0_i32_0 = arith.constant 0 : i32
    %c0_i32_1 = arith.constant 0 : i32
    return %arg0, %c0_i32, %c0_i32_0 : i32, i32, i32
  }
  func.func @transform_2(%arg0: i32, %arg1: i32) -> (i32, i32, i32) {
    %c0_i32 = arith.constant 0 : i32
    %c0_i32_0 = arith.constant 0 : i32
    %c0_i32_1 = arith.constant 0 : i32
    return %arg0, %c0_i32, %c0_i32_0 : i32, i32, i32
  }
  func.func @transform_3(%arg0: i32, %arg1: i32) -> (i32, i32, i32) {
    %c0_i32 = arith.constant 0 : i32
    %c0_i32_0 = arith.constant 0 : i32
    return %arg0, %c0_i32, %arg1 : i32, i32, i32
  }
}

module attributes {stable_mosaic.version = 14 : i64} {
  func.func @_mm1_body(%arg0: i32, %arg1: i32, %arg2: i32, %arg3: memref<1x256x1024xbf16, #tpu.memory_space<vmem>>, %arg4: memref<256x256xf32, #tpu.memory_space<vmem>>, %arg5: memref<1x1x256xf32, #tpu.memory_space<vmem>>, %arg6: memref<1x1024x256xf32, #tpu.memory_space<vmem>>) attributes {dimension_semantics = [#tpu.dimension_semantics<arbitrary>, #tpu.dimension_semantics<arbitrary>, #tpu.dimension_semantics<arbitrary>], iteration_bounds = array<i64: 2, 2, 8>, scalar_prefetch = 0 : i64, scratch_operands = 0 : i64, tpu.core_type = #tpu.core_type<tc>, window_params = [{transform_indices = @transform_0, window_bounds = array<i64: 1, 256, 1024>}, {transform_indices = @transform_1, window_bounds = array<i64: 256, 256>}, {transform_indices = @transform_2, window_bounds = array<i64: 1, 1, 256>}, {transform_indices = @transform_3, window_bounds = array<i64: 1, 1024, 256>}]} {
    %get3A = arith.constant 0 : index
    %get3A_0 = arith.constant 0 : index
    %get3A_1 = arith.constant 0 : index
    %get3A_2 = vector.load %arg5[%get3A, %get3A_0, %get3A_1] : memref<1x1x256xf32, #tpu.memory_space<vmem>>, vector<1x1x256xf32>
    %get3A_3 = vector.shape_cast %get3A_2 : vector<1x1x256xf32> to vector<256xf32>
    %gt3A = arith.constant 0.000000e+00 : f32
    %gt3A_4 = vector.broadcast %gt3A : f32 to vector<256xf32>
    %gt3A_5 = arith.cmpf ogt, %get3A_3, %gt3A_4 : vector<256xf32>
    %gt3A_6 = arith.constant 0.000000e+00 : f32
    %gt3A_7 = vector.broadcast %gt3A_6 : f32 to vector<256xf32>
    %gt3A_8 = arith.cmpf ogt, %get3A_3, %gt3A_7 : vector<256xf32>
    %jit3A = arith.constant 1.000000e+00 : f32
    %broadcast_in_dim3A = vector.broadcast %jit3A : f32 to vector<256xf32>
    %select_n3A = arith.select %gt3A_8, %get3A_3, %broadcast_in_dim3A : vector<256xi1>, vector<256xf32>
    %rsqrt3A = math.rsqrt %select_n3A : vector<256xf32>
    %jit3A_9 = arith.constant 0.000000e+00 : f32
    %broadcast_in_dim3A_10 = vector.broadcast %jit3A_9 : f32 to vector<256xf32>
    %select_n3A_11 = arith.select %gt3A_5, %rsqrt3A, %broadcast_in_dim3A_10 : vector<256xi1>, vector<256xf32>
    %get3A_12 = arith.constant 0 : index
    %get3A_13 = arith.constant 0 : index
    %get3A_14 = vector.load %arg4[%get3A_12, %get3A_13] : memref<256x256xf32, #tpu.memory_space<vmem>>, vector<256x256xf32>
    %broadcast_in_dim3A_15 = vector.shape_cast %select_n3A_11 : vector<256xf32> to vector<256x1xf32>
    %mul3A = vector.broadcast %broadcast_in_dim3A_15 : vector<256x1xf32> to vector<256x256xf32>
    %mul3A_16 = arith.mulf %get3A_14, %mul3A : vector<256x256xf32>
    %convert_element_type3A = arith.truncf %mul3A_16 : vector<256x256xf32> to vector<256x256xbf16>
    %get3A_17 = arith.constant 0 : index
    %get3A_18 = arith.constant 0 : index
    %get3A_19 = arith.constant 0 : index
    %get3A_20 = vector.load %arg3[%get3A_17, %get3A_18, %get3A_19] : memref<1x256x1024xbf16, #tpu.memory_space<vmem>>, vector<1x256x1024xbf16>
    %get3A_21 = vector.shape_cast %get3A_20 : vector<1x256x1024xbf16> to vector<256x1024xbf16>
    %dot_general3A = arith.constant dense<0.000000e+00> : vector<1024x256xf32>
    %dot_general3A_22 = tpu.matmul %get3A_21, %convert_element_type3A, %dot_general3A {dimension_numbers = #tpu.dot_dimension_numbers<[0], [0], [1], [1], [0, 1, 1, 1], [], []>, transpose_lhs_hint = false} : vector<256x1024xbf16>, vector<256x256xbf16>, vector<1024x256xf32> -> vector<1024x256xf32>
    %eq3A = arith.constant 0 : i32
    %eq3A_23 = arith.cmpi eq, %arg2, %eq3A : i32
    %convert_element_type3A_24 = arith.extui %eq3A_23 : i1 to i32
    %cond3A = arith.constant 0 : i32
    %cond3A_25 = arith.cmpi ne, %convert_element_type3A_24, %cond3A : i32
    scf.if %cond3A_25 {
      %broadcast_in_dim3A_34 = arith.constant 0.000000e+00 : f32
      %broadcast_in_dim3A_35 = vector.broadcast %broadcast_in_dim3A_34 : f32 to vector<1x1024x256xf32>
      %swap3A_36 = arith.constant 0 : index
      %swap3A_37 = arith.constant 0 : index
      %swap3A_38 = arith.constant 0 : index
      %swap3A_39 = vector.load %arg6[%swap3A_36, %swap3A_37, %swap3A_38] : memref<1x1024x256xf32, #tpu.memory_space<vmem>>, vector<1x1024x256xf32>
      tpu.vector_store %arg6[%swap3A_36, %swap3A_37, %swap3A_38], %broadcast_in_dim3A_35 {strides = array<i32>} : memref<1x1024x256xf32, #tpu.memory_space<vmem>>, vector<1x1024x256xf32>,
    } else {
    }
    %get3A_26 = arith.constant 0 : index
    %get3A_27 = arith.constant 0 : index
    %get3A_28 = arith.constant 0 : index
    %get3A_29 = vector.load %arg6[%get3A_26, %get3A_27, %get3A_28] : memref<1x1024x256xf32, #tpu.memory_space<vmem>>, vector<1x1024x256xf32>
    %broadcast_in_dim3A_30 = vector.shape_cast %dot_general3A_22 : vector<1024x256xf32> to vector<1x1024x256xf32>
    %add3A = arith.addf %get3A_29, %broadcast_in_dim3A_30 : vector<1x1024x256xf32>
    %swap3A = arith.constant 0 : index
    %swap3A_31 = arith.constant 0 : index
    %swap3A_32 = arith.constant 0 : index
    %swap3A_33 = vector.load %arg6[%swap3A, %swap3A_31, %swap3A_32] : memref<1x1024x256xf32, #tpu.memory_space<vmem>>, vector<1x1024x256xf32>
    tpu.vector_store %arg6[%swap3A, %swap3A_31, %swap3A_32], %add3A {strides = array<i32>} : memref<1x1024x256xf32, #tpu.memory_space<vmem>>, vector<1x1024x256xf32>,
    return
  }
  func.func @transform_0(%arg0: i32, %arg1: i32, %arg2: i32) -> (i32, i32, i32) {
    %c0_i32 = arith.constant 0 : i32
    return %arg0, %arg2, %arg1 : i32, i32, i32
  }
  func.func @transform_1(%arg0: i32, %arg1: i32, %arg2: i32) -> (i32, i32) {
    %c0_i32 = arith.constant 0 : i32
    %c0_i32_0 = arith.constant 0 : i32
    return %arg2, %c0_i32 : i32, i32
  }
  func.func @transform_2(%arg0: i32, %arg1: i32, %arg2: i32) -> (i32, i32, i32) {
    %c0_i32 = arith.constant 0 : i32
    %c0_i32_0 = arith.constant 0 : i32
    return %arg0, %c0_i32, %arg2 : i32, i32, i32
  }
  func.func @transform_3(%arg0: i32, %arg1: i32, %arg2: i32) -> (i32, i32, i32) {
    %c0_i32 = arith.constant 0 : i32
    %c0_i32_0 = arith.constant 0 : i32
    return %arg0, %arg1, %c0_i32 : i32, i32, i32
  }
}

module attributes {stable_mosaic.version = 14 : i64} {
  func.func @_mm2_body(%arg0: i32, %arg1: i32, %arg2: i32, %arg3: memref<1x256x1024xbf16, #tpu.memory_space<vmem>>, %arg4: memref<1x256x256xf32, #tpu.memory_space<vmem>>, %arg5: memref<1x1x1024xf32, #tpu.memory_space<vmem>>, %arg6: memref<1x1024x256xf32, #tpu.memory_space<vmem>>) attributes {dimension_semantics = [#tpu.dimension_semantics<arbitrary>, #tpu.dimension_semantics<arbitrary>, #tpu.dimension_semantics<arbitrary>], iteration_bounds = array<i64: 2, 2, 8>, scalar_prefetch = 0 : i64, scratch_operands = 0 : i64, tpu.core_type = #tpu.core_type<tc>, window_params = [{transform_indices = @transform_0, window_bounds = array<i64: 1, 256, 1024>}, {transform_indices = @transform_1, window_bounds = array<i64: 1, 256, 256>}, {transform_indices = @transform_2, window_bounds = array<i64: 1, 1, 1024>}, {transform_indices = @transform_3, window_bounds = array<i64: 1, 1024, 256>}]} {
    %get3A = arith.constant 0 : index
    %get3A_0 = arith.constant 0 : index
    %get3A_1 = arith.constant 0 : index
    %get3A_2 = vector.load %arg3[%get3A, %get3A_0, %get3A_1] : memref<1x256x1024xbf16, #tpu.memory_space<vmem>>, vector<1x256x1024xbf16>
    %get3A_3 = vector.shape_cast %get3A_2 : vector<1x256x1024xbf16> to vector<256x1024xbf16>
    %get3A_4 = arith.constant 0 : index
    %get3A_5 = arith.constant 0 : index
    %get3A_6 = arith.constant 0 : index
    %get3A_7 = vector.load %arg4[%get3A_4, %get3A_5, %get3A_6] : memref<1x256x256xf32, #tpu.memory_space<vmem>>, vector<1x256x256xf32>
    %get3A_8 = vector.shape_cast %get3A_7 : vector<1x256x256xf32> to vector<256x256xf32>
    %convert_element_type3A = arith.truncf %get3A_8 : vector<256x256xf32> to vector<256x256xbf16>
    %dot_general3A = arith.constant dense<0.000000e+00> : vector<1024x256xf32>
    %dot_general3A_9 = tpu.matmul %get3A_3, %convert_element_type3A, %dot_general3A {dimension_numbers = #tpu.dot_dimension_numbers<[0], [0], [1], [1], [0, 1, 1, 1], [], []>, transpose_lhs_hint = false} : vector<256x1024xbf16>, vector<256x256xbf16>, vector<1024x256xf32> -> vector<1024x256xf32>
    %eq3A = arith.constant 0 : i32
    %eq3A_10 = arith.cmpi eq, %arg2, %eq3A : i32
    %convert_element_type3A_11 = arith.extui %eq3A_10 : i1 to i32
    %cond3A = arith.constant 0 : i32
    %cond3A_12 = arith.cmpi ne, %convert_element_type3A_11, %cond3A : i32
    scf.if %cond3A_12 {
      %broadcast_in_dim3A_25 = arith.constant 0.000000e+00 : f32
      %broadcast_in_dim3A_26 = vector.broadcast %broadcast_in_dim3A_25 : f32 to vector<1x1024x256xf32>
      %swap3A_27 = arith.constant 0 : index
      %swap3A_28 = arith.constant 0 : index
      %swap3A_29 = arith.constant 0 : index
      %swap3A_30 = vector.load %arg6[%swap3A_27, %swap3A_28, %swap3A_29] : memref<1x1024x256xf32, #tpu.memory_space<vmem>>, vector<1x1024x256xf32>
      tpu.vector_store %arg6[%swap3A_27, %swap3A_28, %swap3A_29], %broadcast_in_dim3A_26 {strides = array<i32>} : memref<1x1024x256xf32, #tpu.memory_space<vmem>>, vector<1x1024x256xf32>,
    } else {
    }
    %get3A_13 = arith.constant 0 : index
    %get3A_14 = arith.constant 0 : index
    %get3A_15 = arith.constant 0 : index
    %get3A_16 = vector.load %arg6[%get3A_13, %get3A_14, %get3A_15] : memref<1x1024x256xf32, #tpu.memory_space<vmem>>, vector<1x1024x256xf32>
    %broadcast_in_dim3A = vector.shape_cast %dot_general3A_9 : vector<1024x256xf32> to vector<1x1024x256xf32>
    %add3A = arith.addf %get3A_16, %broadcast_in_dim3A : vector<1x1024x256xf32>
    %swap3A = arith.constant 0 : index
    %swap3A_17 = arith.constant 0 : index
    %swap3A_18 = arith.constant 0 : index
    %swap3A_19 = vector.load %arg6[%swap3A, %swap3A_17, %swap3A_18] : memref<1x1024x256xf32, #tpu.memory_space<vmem>>, vector<1x1024x256xf32>
    tpu.vector_store %arg6[%swap3A, %swap3A_17, %swap3A_18], %add3A {strides = array<i32>} : memref<1x1024x256xf32, #tpu.memory_space<vmem>>, vector<1x1024x256xf32>,
    %eq3A_20 = arith.constant 7 : i32
    %eq3A_21 = arith.cmpi eq, %arg2, %eq3A_20 : i32
    %convert_element_type3A_22 = arith.extui %eq3A_21 : i1 to i32
    %cond3A_23 = arith.constant 0 : i32
    %cond3A_24 = arith.cmpi ne, %convert_element_type3A_22, %cond3A_23 : i32
    scf.if %cond3A_24 {
      %get3A_25 = arith.constant 0 : index
      %get3A_26 = arith.constant 0 : index
      %get3A_27 = arith.constant 0 : index
      %get3A_28 = vector.load %arg5[%get3A_25, %get3A_26, %get3A_27] : memref<1x1x1024xf32, #tpu.memory_space<vmem>>, vector<1x1x1024xf32>
      %get3A_29 = vector.shape_cast %get3A_28 : vector<1x1x1024xf32> to vector<1024xf32>
      %gt3A = arith.constant 0.000000e+00 : f32
      %gt3A_30 = vector.broadcast %gt3A : f32 to vector<1024xf32>
      %gt3A_31 = arith.cmpf ogt, %get3A_29, %gt3A_30 : vector<1024xf32>
      %gt3A_32 = arith.constant 0.000000e+00 : f32
      %gt3A_33 = vector.broadcast %gt3A_32 : f32 to vector<1024xf32>
      %gt3A_34 = arith.cmpf ogt, %get3A_29, %gt3A_33 : vector<1024xf32>
      %jit3A = arith.constant 1.000000e+00 : f32
      %broadcast_in_dim3A_35 = vector.broadcast %jit3A : f32 to vector<1024xf32>
      %select_n3A = arith.select %gt3A_34, %get3A_29, %broadcast_in_dim3A_35 : vector<1024xi1>, vector<1024xf32>
      %div3A = arith.constant 1.000000e+00 : f32
      %div3A_36 = vector.broadcast %div3A : f32 to vector<1024xf32>
      %div3A_37 = arith.divf %div3A_36, %select_n3A : vector<1024xf32>
      %jit3A_38 = arith.constant 0.000000e+00 : f32
      %broadcast_in_dim3A_39 = vector.broadcast %jit3A_38 : f32 to vector<1024xf32>
      %select_n3A_40 = arith.select %gt3A_31, %div3A_37, %broadcast_in_dim3A_39 : vector<1024xi1>, vector<1024xf32>
      %get3A_41 = arith.constant 0 : index
      %get3A_42 = arith.constant 0 : index
      %get3A_43 = arith.constant 0 : index
      %get3A_44 = vector.load %arg6[%get3A_41, %get3A_42, %get3A_43] : memref<1x1024x256xf32, #tpu.memory_space<vmem>>, vector<1x1024x256xf32>
      %broadcast_in_dim3A_45 = vector.shape_cast %select_n3A_40 : vector<1024xf32> to vector<1x1024x1xf32>
      %mul3A = vector.broadcast %broadcast_in_dim3A_45 : vector<1x1024x1xf32> to vector<1x1024x256xf32>
      %mul3A_46 = arith.mulf %get3A_44, %mul3A : vector<1x1024x256xf32>
      %swap3A_47 = arith.constant 0 : index
      %swap3A_48 = arith.constant 0 : index
      %swap3A_49 = arith.constant 0 : index
      %swap3A_50 = vector.load %arg6[%swap3A_47, %swap3A_48, %swap3A_49] : memref<1x1024x256xf32, #tpu.memory_space<vmem>>, vector<1x1024x256xf32>
      tpu.vector_store %arg6[%swap3A_47, %swap3A_48, %swap3A_49], %mul3A_46 {strides = array<i32>} : memref<1x1024x256xf32, #tpu.memory_space<vmem>>, vector<1x1024x256xf32>,
    } else {
    }
    return
  }
  func.func @transform_0(%arg0: i32, %arg1: i32, %arg2: i32) -> (i32, i32, i32) {
    %add3A = arith.constant 2 : i32
    %add3A_0 = arith.addi %add3A, %arg0 : i32
    %c0_i32 = arith.constant 0 : i32
    return %add3A_0, %arg2, %arg1 : i32, i32, i32
  }
  func.func @transform_1(%arg0: i32, %arg1: i32, %arg2: i32) -> (i32, i32, i32) {
    %c0_i32 = arith.constant 0 : i32
    %c0_i32_0 = arith.constant 0 : i32
    return %arg0, %arg2, %c0_i32 : i32, i32, i32
  }
  func.func @transform_2(%arg0: i32, %arg1: i32, %arg2: i32) -> (i32, i32, i32) {
    %c0_i32 = arith.constant 0 : i32
    %c0_i32_0 = arith.constant 0 : i32
    return %arg0, %c0_i32, %arg1 : i32, i32, i32
  }
  func.func @transform_3(%arg0: i32, %arg1: i32, %arg2: i32) -> (i32, i32, i32) {
    %c0_i32 = arith.constant 0 : i32
    %c0_i32_0 = arith.constant 0 : i32
    return %arg0, %arg1, %c0_i32 : i32, i32, i32
  }
}

module attributes {stable_mosaic.version = 14 : i64} {
  func.func @_mm3_body(%arg0: i32, %arg1: i32, %arg2: i32, %arg3: memref<1x256x1024xbf16, #tpu.memory_space<vmem>>, %arg4: memref<1x256x256xf32, #tpu.memory_space<vmem>>, %arg5: memref<1x1x1024xf32, #tpu.memory_space<vmem>>, %arg6: memref<256x128xf32, #tpu.memory_space<vmem>>, %arg7: memref<1x128xf32, #tpu.memory_space<vmem>>, %arg8: memref<1x1024x128xf32, #tpu.memory_space<vmem>>, %arg9: memref<1024x256xf32, #tpu.memory_space<vmem>>) attributes {dimension_semantics = [#tpu.dimension_semantics<arbitrary>, #tpu.dimension_semantics<arbitrary>, #tpu.dimension_semantics<arbitrary>], iteration_bounds = array<i64: 2, 2, 8>, scalar_prefetch = 0 : i64, scratch_operands = 1 : i64, tpu.core_type = #tpu.core_type<tc>, window_params = [{transform_indices = @transform_0, window_bounds = array<i64: 1, 256, 1024>}, {transform_indices = @transform_1, window_bounds = array<i64: 1, 256, 256>}, {transform_indices = @transform_2, window_bounds = array<i64: 1, 1, 1024>}, {pipeline_mode = #tpu.pipeline_mode<synchronous>, transform_indices = @transform_3, window_bounds = array<i64: 256, 128>}, {pipeline_mode = #tpu.pipeline_mode<synchronous>, transform_indices = @transform_4, window_bounds = array<i64: 1, 128>}, {transform_indices = @transform_5, window_bounds = array<i64: 1, 1024, 128>}]} {
    %get3A = arith.constant 0 : index
    %get3A_0 = arith.constant 0 : index
    %get3A_1 = arith.constant 0 : index
    %get3A_2 = vector.load %arg3[%get3A, %get3A_0, %get3A_1] : memref<1x256x1024xbf16, #tpu.memory_space<vmem>>, vector<1x256x1024xbf16>
    %get3A_3 = vector.shape_cast %get3A_2 : vector<1x256x1024xbf16> to vector<256x1024xbf16>
    %get3A_4 = arith.constant 0 : index
    %get3A_5 = arith.constant 0 : index
    %get3A_6 = arith.constant 0 : index
    %get3A_7 = vector.load %arg4[%get3A_4, %get3A_5, %get3A_6] : memref<1x256x256xf32, #tpu.memory_space<vmem>>, vector<1x256x256xf32>
    %get3A_8 = vector.shape_cast %get3A_7 : vector<1x256x256xf32> to vector<256x256xf32>
    %convert_element_type3A = arith.truncf %get3A_8 : vector<256x256xf32> to vector<256x256xbf16>
    %dot_general3A = arith.constant dense<0.000000e+00> : vector<1024x256xf32>
    %dot_general3A_9 = tpu.matmul %get3A_3, %convert_element_type3A, %dot_general3A {dimension_numbers = #tpu.dot_dimension_numbers<[0], [0], [1], [1], [0, 1, 1, 1], [], []>, transpose_lhs_hint = false} : vector<256x1024xbf16>, vector<256x256xbf16>, vector<1024x256xf32> -> vector<1024x256xf32>
    %eq3A = arith.constant 0 : i32
    %eq3A_10 = arith.cmpi eq, %arg2, %eq3A : i32
    %convert_element_type3A_11 = arith.extui %eq3A_10 : i1 to i32
    %cond3A = arith.constant 0 : i32
    %cond3A_12 = arith.cmpi ne, %convert_element_type3A_11, %cond3A : i32
    scf.if %cond3A_12 {
      %broadcast_in_dim3A = arith.constant 0.000000e+00 : f32
      %broadcast_in_dim3A_23 = vector.broadcast %broadcast_in_dim3A : f32 to vector<1024x256xf32>
      %swap3A_24 = arith.constant 0 : index
      %swap3A_25 = arith.constant 0 : index
      %swap3A_26 = vector.load %arg9[%swap3A_24, %swap3A_25] : memref<1024x256xf32, #tpu.memory_space<vmem>>, vector<1024x256xf32>
      tpu.vector_store %arg9[%swap3A_24, %swap3A_25], %broadcast_in_dim3A_23 {strides = array<i32>} : memref<1024x256xf32, #tpu.memory_space<vmem>>, vector<1024x256xf32>,
    } else {
    }
    %get3A_13 = arith.constant 0 : index
    %get3A_14 = arith.constant 0 : index
    %get3A_15 = vector.load %arg9[%get3A_13, %get3A_14] : memref<1024x256xf32, #tpu.memory_space<vmem>>, vector<1024x256xf32>
    %add3A = arith.addf %get3A_15, %dot_general3A_9 : vector<1024x256xf32>
    %swap3A = arith.constant 0 : index
    %swap3A_16 = arith.constant 0 : index
    %swap3A_17 = vector.load %arg9[%swap3A, %swap3A_16] : memref<1024x256xf32, #tpu.memory_space<vmem>>, vector<1024x256xf32>
    tpu.vector_store %arg9[%swap3A, %swap3A_16], %add3A {strides = array<i32>} : memref<1024x256xf32, #tpu.memory_space<vmem>>, vector<1024x256xf32>,
    %eq3A_18 = arith.constant 7 : i32
    %eq3A_19 = arith.cmpi eq, %arg2, %eq3A_18 : i32
    %convert_element_type3A_20 = arith.extui %eq3A_19 : i1 to i32
    %cond3A_21 = arith.constant 0 : i32
    %cond3A_22 = arith.cmpi ne, %convert_element_type3A_20, %cond3A_21 : i32
    scf.if %cond3A_22 {
      %get3A_23 = arith.constant 0 : index
      %get3A_24 = arith.constant 0 : index
      %get3A_25 = arith.constant 0 : index
      %get3A_26 = vector.load %arg5[%get3A_23, %get3A_24, %get3A_25] : memref<1x1x1024xf32, #tpu.memory_space<vmem>>, vector<1x1x1024xf32>
      %get3A_27 = vector.shape_cast %get3A_26 : vector<1x1x1024xf32> to vector<1024xf32>
      %gt3A = arith.constant 0.000000e+00 : f32
      %gt3A_28 = vector.broadcast %gt3A : f32 to vector<1024xf32>
      %gt3A_29 = arith.cmpf ogt, %get3A_27, %gt3A_28 : vector<1024xf32>
      %gt3A_30 = arith.constant 0.000000e+00 : f32
      %gt3A_31 = vector.broadcast %gt3A_30 : f32 to vector<1024xf32>
      %gt3A_32 = arith.cmpf ogt, %get3A_27, %gt3A_31 : vector<1024xf32>
      %jit3A = arith.constant 1.000000e+00 : f32
      %broadcast_in_dim3A = vector.broadcast %jit3A : f32 to vector<1024xf32>
      %select_n3A = arith.select %gt3A_32, %get3A_27, %broadcast_in_dim3A : vector<1024xi1>, vector<1024xf32>
      %div3A = arith.constant 1.000000e+00 : f32
      %div3A_33 = vector.broadcast %div3A : f32 to vector<1024xf32>
      %div3A_34 = arith.divf %div3A_33, %select_n3A : vector<1024xf32>
      %jit3A_35 = arith.constant 0.000000e+00 : f32
      %broadcast_in_dim3A_36 = vector.broadcast %jit3A_35 : f32 to vector<1024xf32>
      %select_n3A_37 = arith.select %gt3A_29, %div3A_34, %broadcast_in_dim3A_36 : vector<1024xi1>, vector<1024xf32>
      %get3A_38 = arith.constant 0 : index
      %get3A_39 = arith.constant 0 : index
      %get3A_40 = vector.load %arg9[%get3A_38, %get3A_39] : memref<1024x256xf32, #tpu.memory_space<vmem>>, vector<1024x256xf32>
      %broadcast_in_dim3A_41 = vector.shape_cast %select_n3A_37 : vector<1024xf32> to vector<1024x1xf32>
      %mul3A = vector.broadcast %broadcast_in_dim3A_41 : vector<1024x1xf32> to vector<1024x256xf32>
      %mul3A_42 = arith.mulf %get3A_40, %mul3A : vector<1024x256xf32>
      %get3A_43 = arith.constant 0 : index
      %get3A_44 = arith.constant 0 : index
      %get3A_45 = vector.load %arg6[%get3A_43, %get3A_44] : memref<256x128xf32, #tpu.memory_space<vmem>>, vector<256x128xf32>
      %dot_general3A_46 = arith.constant dense<0.000000e+00> : vector<1024x128xf32>
      %dot_general3A_47 = tpu.matmul %mul3A_42, %get3A_45, %dot_general3A_46 {dimension_numbers = #tpu.dot_dimension_numbers<[1], [0], [0], [1], [0, 0, 1, 1], [], []>, transpose_lhs_hint = false} : vector<1024x256xf32>, vector<256x128xf32>, vector<1024x128xf32> -> vector<1024x128xf32>
      %get3A_48 = arith.constant 0 : index
      %get3A_49 = arith.constant 0 : index
      %get3A_50 = vector.load %arg7[%get3A_48, %get3A_49] : memref<1x128xf32, #tpu.memory_space<vmem>>, vector<1x128xf32>
      %add3A_51 = vector.broadcast %get3A_50 : vector<1x128xf32> to vector<1024x128xf32>
      %add3A_52 = arith.addf %dot_general3A_47, %add3A_51 : vector<1024x128xf32>
      %max3A = arith.constant 0.000000e+00 : f32
      %max3A_53 = vector.broadcast %max3A : f32 to vector<1024x128xf32>
      %max3A_54 = arith.maximumf %add3A_52, %max3A_53 : vector<1024x128xf32>
      %broadcast_in_dim3A_55 = vector.shape_cast %max3A_54 : vector<1024x128xf32> to vector<1x1024x128xf32>
      %swap3A_56 = arith.constant 0 : index
      %swap3A_57 = arith.constant 0 : index
      %swap3A_58 = arith.constant 0 : index
      %swap3A_59 = vector.load %arg8[%swap3A_56, %swap3A_57, %swap3A_58] : memref<1x1024x128xf32, #tpu.memory_space<vmem>>, vector<1x1024x128xf32>
      tpu.vector_store %arg8[%swap3A_56, %swap3A_57, %swap3A_58], %broadcast_in_dim3A_55 {strides = array<i32>} : memref<1x1024x128xf32, #tpu.memory_space<vmem>>, vector<1x1024x128xf32>,
    } else {
    }
    return
  }
  func.func @transform_0(%arg0: i32, %arg1: i32, %arg2: i32) -> (i32, i32, i32) {
    %add3A = arith.constant 4 : i32
    %add3A_0 = arith.addi %add3A, %arg0 : i32
    %c0_i32 = arith.constant 0 : i32
    return %add3A_0, %arg2, %arg1 : i32, i32, i32
  }
  func.func @transform_1(%arg0: i32, %arg1: i32, %arg2: i32) -> (i32, i32, i32) {
    %c0_i32 = arith.constant 0 : i32
    %c0_i32_0 = arith.constant 0 : i32
    return %arg0, %arg2, %c0_i32 : i32, i32, i32
  }
  func.func @transform_2(%arg0: i32, %arg1: i32, %arg2: i32) -> (i32, i32, i32) {
    %c0_i32 = arith.constant 0 : i32
    %c0_i32_0 = arith.constant 0 : i32
    return %arg0, %c0_i32, %arg1 : i32, i32, i32
  }
  func.func @transform_3(%arg0: i32, %arg1: i32, %arg2: i32) -> (i32, i32) {
    %c0_i32 = arith.constant 0 : i32
    %c0_i32_0 = arith.constant 0 : i32
    %c0_i32_1 = arith.constant 0 : i32
    return %c0_i32, %c0_i32_0 : i32, i32
  }
  func.func @transform_4(%arg0: i32, %arg1: i32, %arg2: i32) -> (i32, i32) {
    %c0_i32 = arith.constant 0 : i32
    %c0_i32_0 = arith.constant 0 : i32
    %c0_i32_1 = arith.constant 0 : i32
    return %c0_i32, %c0_i32_0 : i32, i32
  }
  func.func @transform_5(%arg0: i32, %arg1: i32, %arg2: i32) -> (i32, i32, i32) {
    %c0_i32 = arith.constant 0 : i32
    %c0_i32_0 = arith.constant 0 : i32
    return %arg0, %arg1, %c0_i32 : i32, i32, i32
  }
}

module attributes {stable_mosaic.version = 14 : i64} {
  func.func @_head_body(%arg0: i32, %arg1: memref<2x1024x128xf32, #tpu.memory_space<vmem>>, %arg2: memref<256x128xf32, #tpu.memory_space<vmem>>, %arg3: memref<1x128xf32, #tpu.memory_space<vmem>>, %arg4: memref<128x8xf32, #tpu.memory_space<vmem>>, %arg5: memref<1x8xf32, #tpu.memory_space<vmem>>, %arg6: memref<1024x8xf32, #tpu.memory_space<vmem>>) attributes {dimension_semantics = [#tpu.dimension_semantics<arbitrary>], iteration_bounds = array<i64: 2>, scalar_prefetch = 0 : i64, scratch_operands = 0 : i64, tpu.core_type = #tpu.core_type<tc>, window_params = [{transform_indices = @transform_0, window_bounds = array<i64: 2, 1024, 128>}, {pipeline_mode = #tpu.pipeline_mode<synchronous>, transform_indices = @transform_1, window_bounds = array<i64: 256, 128>}, {pipeline_mode = #tpu.pipeline_mode<synchronous>, transform_indices = @transform_2, window_bounds = array<i64: 1, 128>}, {pipeline_mode = #tpu.pipeline_mode<synchronous>, transform_indices = @transform_3, window_bounds = array<i64: 128, 8>}, {pipeline_mode = #tpu.pipeline_mode<synchronous>, transform_indices = @transform_4, window_bounds = array<i64: 1, 8>}, {transform_indices = @transform_5, window_bounds = array<i64: 1024, 8>}]} {
    %get3A = arith.constant 0 : index
    %get3A_0 = arith.constant 0 : index
    %get3A_1 = arith.constant 0 : index
    %get3A_2 = vector.load %arg1[%get3A, %get3A_0, %get3A_1] : memref<2x1024x128xf32, #tpu.memory_space<vmem>>, vector<1x1024x128xf32>
    %get3A_3 = vector.shape_cast %get3A_2 : vector<1x1024x128xf32> to vector<1024x128xf32>
    %get3A_4 = arith.constant 1 : index
    %get3A_5 = arith.constant 0 : index
    %get3A_6 = arith.constant 0 : index
    %get3A_7 = vector.load %arg1[%get3A_4, %get3A_5, %get3A_6] : memref<2x1024x128xf32, #tpu.memory_space<vmem>>, vector<1x1024x128xf32>
    %get3A_8 = vector.shape_cast %get3A_7 : vector<1x1024x128xf32> to vector<1024x128xf32>
    %concatenate3A = tpu.concatenate %get3A_3, %get3A_8 in 1 : vector<1024x128xf32>, vector<1024x128xf32> -> vector<1024x256xf32>
    %get3A_9 = arith.constant 0 : index
    %get3A_10 = arith.constant 0 : index
    %get3A_11 = vector.load %arg2[%get3A_9, %get3A_10] : memref<256x128xf32, #tpu.memory_space<vmem>>, vector<256x128xf32>
    %dot_general3A = arith.constant dense<0.000000e+00> : vector<1024x128xf32>
    %dot_general3A_12 = tpu.matmul %concatenate3A, %get3A_11, %dot_general3A {dimension_numbers = #tpu.dot_dimension_numbers<[1], [0], [0], [1], [0, 0, 1, 1], [], []>, transpose_lhs_hint = false} : vector<1024x256xf32>, vector<256x128xf32>, vector<1024x128xf32> -> vector<1024x128xf32>
    %get3A_13 = arith.constant 0 : index
    %get3A_14 = arith.constant 0 : index
    %get3A_15 = vector.load %arg3[%get3A_13, %get3A_14] : memref<1x128xf32, #tpu.memory_space<vmem>>, vector<1x128xf32>
    %add3A = vector.broadcast %get3A_15 : vector<1x128xf32> to vector<1024x128xf32>
    %add3A_16 = arith.addf %dot_general3A_12, %add3A : vector<1024x128xf32>
    %max3A = arith.constant 0.000000e+00 : f32
    %max3A_17 = vector.broadcast %max3A : f32 to vector<1024x128xf32>
    %max3A_18 = arith.maximumf %add3A_16, %max3A_17 : vector<1024x128xf32>
    %get3A_19 = arith.constant 0 : index
    %get3A_20 = arith.constant 0 : index
    %get3A_21 = vector.load %arg4[%get3A_19, %get3A_20] : memref<128x8xf32, #tpu.memory_space<vmem>>, vector<128x8xf32>
    %dot_general3A_22 = arith.constant dense<0.000000e+00> : vector<1024x8xf32>
    %dot_general3A_23 = tpu.matmul %max3A_18, %get3A_21, %dot_general3A_22 {dimension_numbers = #tpu.dot_dimension_numbers<[1], [0], [0], [1], [0, 0, 1, 1], [], []>, transpose_lhs_hint = false} : vector<1024x128xf32>, vector<128x8xf32>, vector<1024x8xf32> -> vector<1024x8xf32>
    %get3A_24 = arith.constant 0 : index
    %get3A_25 = arith.constant 0 : index
    %get3A_26 = vector.load %arg5[%get3A_24, %get3A_25] : memref<1x8xf32, #tpu.memory_space<vmem>>, vector<1x8xf32>
    %add3A_27 = vector.broadcast %get3A_26 : vector<1x8xf32> to vector<1024x8xf32>
    %add3A_28 = arith.addf %dot_general3A_23, %add3A_27 : vector<1024x8xf32>
    %swap3A = arith.constant 0 : index
    %swap3A_29 = arith.constant 0 : index
    %swap3A_30 = vector.load %arg6[%swap3A, %swap3A_29] : memref<1024x8xf32, #tpu.memory_space<vmem>>, vector<1024x8xf32>
    tpu.vector_store %arg6[%swap3A, %swap3A_29], %add3A_28 {strides = array<i32>} : memref<1024x8xf32, #tpu.memory_space<vmem>>, vector<1024x8xf32>,
    return
  }
  func.func @transform_0(%arg0: i32) -> (i32, i32, i32) {
    %c0_i32 = arith.constant 0 : i32
    %c0_i32_0 = arith.constant 0 : i32
    %c0_i32_1 = arith.constant 0 : i32
    return %c0_i32, %arg0, %c0_i32_0 : i32, i32, i32
  }
  func.func @transform_1(%arg0: i32) -> (i32, i32) {
    %c0_i32 = arith.constant 0 : i32
    %c0_i32_0 = arith.constant 0 : i32
    %c0_i32_1 = arith.constant 0 : i32
    return %c0_i32, %c0_i32_0 : i32, i32
  }
  func.func @transform_2(%arg0: i32) -> (i32, i32) {
    %c0_i32 = arith.constant 0 : i32
    %c0_i32_0 = arith.constant 0 : i32
    %c0_i32_1 = arith.constant 0 : i32
    return %c0_i32, %c0_i32_0 : i32, i32
  }
  func.func @transform_3(%arg0: i32) -> (i32, i32) {
    %c0_i32 = arith.constant 0 : i32
    %c0_i32_0 = arith.constant 0 : i32
    %c0_i32_1 = arith.constant 0 : i32
    return %c0_i32, %c0_i32_0 : i32, i32
  }
  func.func @transform_4(%arg0: i32) -> (i32, i32) {
    %c0_i32 = arith.constant 0 : i32
    %c0_i32_0 = arith.constant 0 : i32
    %c0_i32_1 = arith.constant 0 : i32
    return %c0_i32, %c0_i32_0 : i32, i32
  }
  func.func @transform_5(%arg0: i32) -> (i32, i32) {
    %c0_i32 = arith.constant 0 : i32
    %c0_i32_0 = arith.constant 0 : i32
    return %arg0, %c0_i32 : i32, i32
  }
}

</mosaic_0001>

<sc_bundles>
// kernel: kernel.13.cloned.1.call-start
scs
__scs_entry_jumppad:
0x0: {  	(pc) =	sbr.rel $0x88, $3  }
0x1: {  	(tag) =	ssettag $0x0;
	lr =	simm.s32 $0x1  }
0x2: {  	[smem:$0x3F95] =	sst lr;
	_ =	strace $0xD0000000  }
0x3: {  	_ = 	snop  }
0x4: {  	_ = 	snop  }
0x5: {  	_ = 	snop  }
0x6: {  	_ = 	snop  }
0x7: {  	_ = 	snop  }
__scs_overlays_trampoline_lowered:
0x8: {  	[smem:$0x3FA4] =	sst s0  }
0x9: {  	[smem:$0x3FA5] =	sst s1  }
0xa: {  	[smem:$0x3FA6] =	sst s2  }
0xb: {  	[smem:$0x3FA7] =	sst s3  }
0xc: {  	[smem:$0x3FA8] =	sst s4  }
0xd: {  	[smem:$0x3FA9] =	sst s5  }
0xe: {  	[smem:$0x3FAA] =	sst s6  }
0xf: {  	[smem:$0x3FAB] =	sst s7  }
0x10: {  	[smem:$0x3FAC] =	sst s8  }
0x11: {  	[smem:$0x3FAD] =	sst s9;
	s0 =	simm.s32 @!p0 $0x0  }
0x12: {  	s1 =	sld [smem:$0x3F93];
	s0 =	simm.s32 @p0 $0x1  }
0x13: {  	[smem:$0x3FAE] =	sst s0;
	s0 =	simm.s32 @!p1 $0x0  }
0x14: {  	s2 =	sld [smem:$0x3F92];
	s0 =	simm.s32 @p1 $0x1  }
0x15: {  	[smem:$0x3FAF] =	sst s0;
	s0 =	simm.s32 @!p2 $0x0  }
0x16: {  	s3 =	sld [smem:$0x3FDB];
	s0 =	simm.s32 @p2 $0x1  }
0x17: {  	s4 =	simm.s32 $0x1BF5;
	[smem:$0x3FB1] =	sst s0  }
0x18: {  	s0 =	sld [smem:$0x3F94];
	_ =	swait.ge [sflag:s4], $0x0  }
0x19: {  	s7 =	sld [smem:$0x3F95]  }
0x1a: {  	s8 =	sadd.s32 $0xFFFFE003, lr  }
0x1b: {  	s9 =	sadd.s32 $0xFFFFFEF7, lr;
	s5 =	simm.s32 $0xFFFFFFFF;
	p2 =	slt.u32 s8, $0xFFFFF086  }
0x1c: {  	p1 =	slt.u32 s9, $0xF7A;
	s5 =	simm.s32 @!p2 $0x0  }
0x1d: {  	s5 =	simm.s32 @p1 $0x1;
	p0 =	seq.s32 s7, s2  }
0x1e: {  	s7 =	smul.u32 @!p0 $0xF7A, s2;
	p2 =	seq.s32 @!p0 s5, $0x0  }
0x1f: {  	s9 =	smul.u32 $0xF7A, s1;
	s8 =	simm.s32 @!p0 $0x1BF5;
	p2 =	por !p2, p0  }
0x20: {  	[sflag:s8] =	ssyncset.s32 @!p0 $0xFFFFF086;
	s6 =	sadd.s32 @!p0 s3, s7;
	s7 =	simm.s32 @!p0 $0x108  }
0x21: {  	s3 =	sadd.s32 s3, s9;
	s6 =	sadd.s32 @!p0 $0x88, s6;
	s7 =	simm.s32 @p2 $0x1082  }
0x22: {  	[simem:s7], [sflag:s8] =	dma.local @!p0 [hbm:s6], $0xF7A  }
0x23: {  	s9 =	sor.u32 $0xD0000000, s2;
	s6 =	simm.s32 $0x108;
	_ =	swait.ge @!p0 [sflag:s8], $0x0  }
0x24: {  	s3 =	sadd.s32 $0x88, s3;
	s6 =	simm.s32 @!p1 $0x1082;
	[sflag:s4] =	ssyncset.s32 $0xFFFFF086  }
0x25: {  	[simem:s6], [sflag:s4] =	dma.local [hbm:s3], $0xF7A  }
0x26: {  	[smem:$0x3F95] =	sst s1;
	(tag) =	ssettag s2;
	_ =	strace s9  }
0x27: {  	s1 =	sld [smem:$0x3FA5]  }
0x28: {  	s2 =	sld [smem:$0x3FA6]  }
0x29: {  	s4 =	sld [smem:$0x3FA8]  }
0x2a: {  	p0 =	seq.s32 s5, $0x0;
	s5 =	sld [smem:$0x3FA9]  }
0x2b: {  	s6 =	sld [smem:$0x3FAA]  }
0x2c: {  	s7 =	sld [smem:$0x3FAB]  }
0x2d: {  	s3 =	simm.s32 $0x108;
	s8 =	sld [smem:$0x3FAC]  }
0x2e: {  	s3 =	simm.s32 @!p0 $0x1082;
	s9 =	sld [smem:$0x3FAD]  }
0x2f: {  	lr =	sadd.s32 s0, s3;
	s0 =	sld [smem:$0x3FA4]  }
0x30: {  	s3 =	sld [smem:$0x3FA7]  }
0x31: {  	[smem:$0x3FB0] =	sst s10  }
0x32: {  	s10 =	sld [smem:$0x3FAE];
	_ =	sdelay $0x3  }
0x33: {  	p0 =	seq.s32 s10, $0x1;
	s10 =	sld [smem:$0x3FB0];
	_ =	sdelay $0x3  }
0x34: {  	[smem:$0x3FB0] =	sst s10  }
0x35: {  	s10 =	sld [smem:$0x3FAF];
	_ =	sdelay $0x3  }
0x36: {  	p1 =	seq.s32 s10, $0x1;
	s10 =	sld [smem:$0x3FB0];
	_ =	sdelay $0x3  }
0x37: {  	[smem:$0x3FB0] =	sst s10  }
0x38: {  	s10 =	sld [smem:$0x3FB1]  }
0x39: {  	_ = 	snop;
	(pc) =	sbr.ind lr, $3  }
0x3a: {  	_ = 	snop  }
0x3b: {  	_ = 	snop  }
0x3c: {  	p2 =	seq.s32 s10, $0x1;
	s10 =	sld [smem:$0x3FB0]  }
0x3d: {  	_ =	shalt  }
0x3e: {  	_ =	shalt  }
0x3f: {  	_ =	shalt  }
0x40: {  	_ =	shalt  }
0x41: {  	_ =	shalt  }
0x42: {  	_ =	shalt  }
0x43: {  	_ =	shalt  }
0x44: {  	_ =	shalt  }
0x45: {  	_ =	shalt  }
0x46: {  	_ =	shalt  }
0x47: {  	_ =	shalt  }
0x48: {  	_ =	shalt  }
0x49: {  	_ =	shalt  }
0x4a: {  	_ =	shalt  }
0x4b: {  	_ =	shalt  }
0x4c: {  	_ =	shalt  }
0x4d: {  	_ =	shalt  }
0x4e: {  	_ =	shalt  }
0x4f: {  	_ =	shalt  }
0x50: {  	_ =	shalt  }
0x51: {  	_ =	shalt  }
0x52: {  	_ =	shalt  }
0x53: {  	_ =	shalt  }
0x54: {  	_ =	shalt  }
0x55: {  	_ =	shalt  }
0x56: {  	_ =	shalt  }
0x57: {  	_ =	shalt  }
0x58: {  	_ =	shalt  }
0x59: {  	_ =	shalt  }
0x5a: {  	_ =	shalt  }
0x5b: {  	_ =	shalt  }
0x5c: {  	_ =	shalt  }
0x5d: {  	_ =	shalt  }
0x5e: {  	_ =	shalt  }
0x5f: {  	_ =	shalt  }
0x60: {  	_ =	shalt  }
0x61: {  	_ =	shalt  }
0x62: {  	_ =	shalt  }
0x63: {  	_ =	shalt  }
0x64: {  	_ =	shalt  }
0x65: {  	_ =	shalt  }
0x66: {  	_ =	shalt  }
0x67: {  	_ =	shalt  }
0x68: {  	_ =	shalt  }
0x69: {  	_ =	shalt  }
0x6a: {  	_ =	shalt  }
0x6b: {  	_ =	shalt  }
0x6c: {  	_ =	shalt  }
0x6d: {  	_ =	shalt  }
0x6e: {  	_ =	shalt  }
0x6f: {  	_ =	shalt  }
0x70: {  	_ =	shalt  }
0x71: {  	_ =	shalt  }
0x72: {  	_ =	shalt  }
0x73: {  	_ =	shalt  }
0x74: {  	_ =	shalt  }
0x75: {  	_ =	shalt  }
0x76: {  	_ =	shalt  }
0x77: {  	_ =	shalt  }
0x78: {  	_ =	shalt  }
0x79: {  	_ =	shalt  }
0x7a: {  	_ =	shalt  }
0x7b: {  	_ =	shalt  }
0x7c: {  	_ =	shalt  }
0x7d: {  	_ =	shalt  }
0x7e: {  	_ =	shalt  }
0x7f: {  	_ =	shalt  }
0x80: {  	_ =	shalt  }
0x81: {  	_ =	shalt  }
0x82: {  	_ =	shalt  }
0x83: {  	_ =	shalt  }
0x84: {  	_ =	shalt  }
0x85: {  	_ =	shalt  }
0x86: {  	_ =	shalt  }
0x87: {  	_ =	shalt  }
.Lfunc_end0:
.L_simem_size_0:
called_computation_lowered:
.L_overlay_start_0:
0x88: {  	s2 =	sld [smem:$0x3FD9]  }
0x89: {  	s3 =	sld [smem:$0x3FFE];
	_ =	sdelay $0x1  }
0x8a: {  	s1 =	srdreg.scid  }
0x8b: {  	s0 =	sand.u32 $0x1, s1  }
0x8c: {  	s17 =	sshll.u32 s0, $0xA;
	s2 =	sadd.s32 s3, s2  }
0x8d: {  	s2 =	sadd.s32 s2, s17  }
0x8e: {  	[smem:$0x3FBC] =	sst s2  }
0x8f: {  	_ = 	snop  }
0x90: {  	s2 =	sld [smem:$0x3FC8];
	(tm) =	ssettm $0x1  }
0x91: {  	s18 =	sld [smem:$0x3FFB];
	_ =	sdelay $0x3  }
0x92: {  	_ =	strace s18  }
0x93: {  	s3 =	sld [smem:$0x3FFC];
	_ =	sdelay $0x3  }
0x94: {  	_ =	strace s3  }
0x95: {  	s3 =	sld [smem:$0x3FFD];
	_ =	sdelay $0x3  }
0x96: {  	_ =	strace s3  }
0x97: {  	_ =	strace $0x8FFFFFFF  }
0x98: {  	s19 =	sld [smem:$0x3FDB];
	_ =	sdelay $0x1  }
0x99: {  	s4 =	simm.s32 $_scs_section_size  }
0x9a: {  	s5 =	simm.s32 $_size__tile_overlayer_lowered;
	s6 =	simm.s32 $_tile_overlayer_lowered  }
0x9b: {  	s22 =	simm.s32 $0x1BFF;
	s21 =	sshll.u32 s6, $0x1;
	s3 =	sadd.s32 s4, s19  }
0x9c: {  	s7 =	simm.s32 $0x0;
	s20 =	sshll.u32 s5, $0x1;
	s5 =	sadd.s32 s21, s3  }
0x9d: {  	[timem:s7], [sflag:s22] =	dma.local [hbm:s5], s20  }
0x9e: {  	_ =	swait.ge [sflag:s22], s20  }
0x9f: {  	s4 =	ssub.s32 $0x0, s20;
	[sflag:s22] =	ssyncset.done $0x0  }
0xa0: {  	[sflag:s22] =	ssyncadd.s32 s4;
	_ =	sdelay $0x1  }
0xa1: {  	s23 =	simm.s32 $0x1B8B  }
0xa2: {  	_ =	swait.ge [sflag:s23], $0x1  }
0xa3: {  	[sflag:s23] =	ssyncset.done $0x0  }
0xa4: {  	s25 =	simm.s32 $0x1B8E;
	s24 =	sld [smem:$0x3FFE];
	[sflag:s23] =	ssyncadd.s32 $0xFFFFFFFF  }
0xa5: {  	s26 =	simm.s32 $execute0_lowered;
	[smem:$0x3FD2] =	sst s25  }
0xa6: {  	s5 =	sshll.u32 s26, $0x1;
	_ =	strace $0x80000046;
	[dreg:$0x1] =	wrdreg $0xFFFFFFFF  }
0xa7: {  	s28 =	simm.s32 $_size_execute0_lowered;
	s3 =	sadd.s32 s3, s5;
	[dreg:$0x0] =	wrdreg $0x0  }
0xa8: {  	s5 =	sshll.u32 s28, $0x1;
	[dreg:$0x2] =	wrdreg s3  }
0xa9: {  	[dreg:$0x3] =	wrdreg s5  }
0xaa: {  	[dreg:$0x4] =	wrdreg $0xC0  }
0xab: {  	_ =	task [dreg:s7], $0x5FFFF  }
0xac: {  	[dreg:$0x1] =	wrdreg $0xFFFFFFFF  }
0xad: {  	[dreg:$0x0] =	wrdreg $0x60  }
0xae: {  	[dreg:$0x2] =	wrdreg s24  }
0xaf: {  	[dreg:$0x3] =	wrdreg s2  }
0xb0: {  	[dreg:$0x4] =	wrdreg $0x54000  }
0xb1: {  	[dreg:$0x5] =	wrdreg $0x9  }
0xb2: {  	_ =	task.clear_ibuf [dreg:s7], $0x6FFFF;
	_ =	strace $0x90000046  }
0xb3: {  	s29 =	simm.s32 $0x9;
	_ =	strace $0x80000048  }
0xb4: {  	_ =	swait.ge [sflag:s29], $0x1  }
0xb5: {  	[sflag:s29] =	ssyncadd.s32 $0xFFFFFFFF  }
0xb6: {  	_ =	strace $0x90000048  }
0xb7: {  	_ =	sfence  }
0xb8: {  	s30 =	sld [smem:$0x0];
	_ =	sdelay $0x2  }
0xb9: {  	s31 =	sshll.u32 s1, $0xD;
	s1 =	sshrl.u32 s1, $0x2  }
0xba: {  	s3 =	sand.u32 $0x4000, s31;
	s1 =	sadd.s32 s1, s30  }
0xbb: {  	s0 =	sor.u32 s3, s0;
	s1 =	sshll.u32 s1, $0x11  }
0xbc: {  	s0 =	sor.u32 s1, s0  }
0xbd: {  	s0 =	sadd.s32 $0x8F2B, s0  }
0xbe: {  	[sflag:s0] =	ssyncadd.remote.s32 $0x1  }
0xbf: {  	_ =	sfence.sel $0xFFFF  }
0xc0: {  	[dreg:$0x0] =	wrdreg $0xFFFFFFFF;
	(pc) =	sbr.abs _section_cstart, $3  }
0xc1: {  	[dreg:$0x1] =	wrdreg $0xFFFFFFFF  }
0xc2: {  	_ =	task.clear_ibuf [dreg:s7], $0x2FFFF;
	_ =	strace $0x9FFFFFFF  }
0xc3: {  	(tm) =	ssettm $0x7FFFFFFF  }
tec
execute0_lowered:
.L_overlay_start_1:
0x0: {  	(tag) =	ssettag $0x1  }
0x1: {  	s0 =	rddreg [dreg:$0x0]  }
0x2: {  	s1 =	rddreg [dreg:$0x1]  }
0x3: {  	s2 =	rddreg [dreg:$0x2]  }
0x4: {  	s3 =	simm.s32 $0x0;
	s4 =	srdreg.scid;
	s13 =	stileid.u32  }
0x5: {  	s16 =	simm.s32 $0x80;
	s17 =	simm.s32 $0x400;
	s18 =	simm.s32 $0x1000  }
0x6: {  	s19 =	simm.s32 $0x2000;
	s20 =	simm.s32 $0x1;
	s21 =	simm.s32 $0x3000  }
0x7: {  	s22 =	simm.s32 $0x4200;
	s23 =	simm.s32 $0x2;
	s24 =	simm.s32 $0x100  }
0x8: {  	[smem:$0x7FF] =	sst s3;
	s5 =	sadd.s32 $0x12000, s0;
	s4 =	sand.u32 $0x1, s4  }
0x9: {  	s6 =	sadd.s32 $0x2000, s0;
	s7 =	sshll.u32 s13, $0xD;
	s9 =	sshll.u32 s13, $0x10  }
0xa: {  	s11 =	sshll.u32 s13, $0x6;
	s13 =	sshll.u32 s13, $0xC;
	_ =	strace $0x80000047  }
.Ltmp0:
0xb: {  	s8 =	ssub.s32 $0x2, s4;
	s10 =	sadd.s32 s7, s0;
	(pc) =	sbr.rel .LBB2_1-.Ltmp0, $4  }
0xc: {  	s7 =	sadd.s32 $0x42000, s0;
	s31 =	sadd.s32 s9, s2;
	s30 =	sshrl.u32 s8, $0x1  }
0xd: {  	s12 =	sor.u32 $0x1C02, s11;
	s10 =	sadd.s32 $0x22000, s10;
	s0 =	ssub.s32 s8, s30  }
0xe: {  	s15 =	sshrl.u32 s31, $0x3;
	s8 =	sshll.u32 s4, $0x9;
	s0 =	smax.u32 s0, $0x1  }
0xf: {  	v0 =	vimm.s32 $0x0;
	v1 =	vimm.f32 $0.0e+00;
	s4 =	simm.s32 $0x4;
	[dreg:$0x4] =	wrdreg s0;
	s0 =	simm.s32 $0x3  }
.LBB2_38:
0x10: {  	s3 =	sadd.s32 $0x1, s3;
	s14 =	rddreg [dreg:$0x4]  }
0x11: {  	p0 =	sne.s32 s3, s14  }
.Ltmp1:
0x12: {  	_ = 	snop;
	(pc) =	sbr.rel @!p0 .LBB2_39-.Ltmp1, $1  }
0x13: {  	_ =	sdelay $0x3  }
.LBB2_1:
.Ltmp2:
0x14: {  	(pc) =	sbr.rel .LBB2_2-.Ltmp2, $2  }
0x15: {  	_ =	sdelay $0x2  }
0x16: {  	s14 =	simm.s32 $0x0  }
.LBB2_36:
0x17: {  	_ =	swait.ge [sflag:s0], $0x100  }
0x18: {  	[sflag:s0] =	ssyncset.done $0x0  }
0x19: {  	[sflag:s0] =	ssyncadd.s32 $0xFFFFFF00  }
.LBB2_37:
0x1a: {  	s25 =	sshll.u32 s30, $0x16;
	s26 =	sshll.u32 s31, $0xB  }
0x1b: {  	s25 =	sor.u32 s25, s26  }
0x1c: {  	s14 =	sadd.s32 $0x1, s14;
	s25 =	sor.u32 s9, s25  }
0x1d: {  	[bflag:$0x0] =	sbarrier.arrive $0xFFFF;
	p0 =	sne.s32 s14, $0xA;
	s25 =	sshrl.u32 s25, $0x3  }
.Ltmp3:
0x1e: {  	s31 =	sor.u32 $0x1C04, s11;
	s25 =	sadd.s32 s7, s25;
	(pc) =	sbr.rel @!p0 .LBB2_38-.Ltmp3, $4  }
0x1f: {  	[hbm:s25], [sflag:s31] =	dma.local [spmem:s15], $0x2000  }
0x20: {  	_ =	swait.ge [sflag:s4], $0x2000  }
0x21: {  	[sflag:s4] =	ssyncset.done $0x0  }
0x22: {  	[sflag:s4] =	ssyncadd.s32 $0xFFFFE000  }
.LBB2_2:
0x23: {  	s30 =	sshrl.u32 s14, $0x1  }
0x24: {  	[spmem:s15], [sflag:s12] =	dma.local [hbm:s10], $0x2000  }
0x25: {  	s28 =	sshll.u32 s30, $0x4  }
0x26: {  	s28 =	sadd.s32 s13, s28  }
0x27: {  	s31 =	simm.s32 $0x0;
	s29 =	sadd.s32 s5, s28  }
0x28: {  	[tilespmem:s31], [sflag:$0x1] =	stream.strided.gather [hbm4b:s29+s16], $0x1000, s17, s16, $0x38;
	[tilespmem:$0x15400] =	vst v63  }
0x29: {  	s29 =	sadd.s32 s6, s28  }
0x2a: {  	[tilespmem:s18], [sflag:$0x1] =	stream.strided.gather [hbm4b:s29+s16], $0x1000, s17, s16, $0x38;
	[tilespmem:$0x15400] =	vst v63  }
0x2b: {  	s28 =	sadd.s32 s1, s28  }
0x2c: {  	[tilespmem:s19], [sflag:$0x1] =	stream.strided.gather [hbm4b:s28+s16], $0x1000, s17, s16, $0x38;
	[tilespmem:$0x15400] =	vst v63  }
0x2d: {  	_ =	swait.ge [sflag:s20], $0x1000  }
0x2e: {  	[sflag:s20] =	ssyncset.done $0x0  }
0x2f: {  	[sflag:s20] =	ssyncadd.s32 $0xFFFFF000  }
0x30: {  	_ =	swait.ge [sflag:s20], $0x1000  }
0x31: {  	[sflag:s20] =	ssyncset.done $0x0  }
0x32: {  	[sflag:s20] =	ssyncadd.s32 $0xFFFFF000  }
0x33: {  	_ =	swait.ge [sflag:s20], $0x1000  }
0x34: {  	[sflag:s20] =	ssyncset.done $0x0  }
0x35: {  	s29 =	simm.s32 $0x0;
	s28 =	simm.s32 $0x40;
	[sflag:s20] =	ssyncadd.s32 $0xFFFFF000  }
.LBB2_3:
0x36: {  	p0 =	seq.s32 s28, $0x47C0;
	[tilespmem:s29+$0x3000] =	vst v0;
	s31 =	smov.u32 s28;
	s28 =	sadd.s32 $0x40, s28  }
.Ltmp4:
0x37: {  	[tilespmem:s29+$0x4200] =	vst v1;
	(pc) =	sbr.rel @!p0 .LBB2_3-.Ltmp4, $2  }
0x38: {  	_ =	sdelay $0x2  }
0x39: {  	s29 =	sshra.s32 s31, $0x2  }
0x3a: {  	s28 =	sshll.u32 s14, $0xA  }
0x3b: {  	s28 =	sand.u32 $0x400, s28  }
0x3c: {  	s31 =	sor.u32 s8, s28  }
0x3d: {  	[tilespmem:s29+$0x3000] =	vst v0;
	s28 =	sadd.s32 $0x200, s31  }
0x3e: {  	[tilespmem:s29+$0x4200] =	vst v1;
	v5 =	vmov s28;
	s28 =	simm.s32 $0x0  }
0x3f: {  	v3 =	vimm.s32 $0x0;
	s29 =	simm.s32 $0x40;
	v4 =	vimm.s32 $0x0;
	v2 =	vmov s31;
	v6 =	vld [tilespmem:s28+$0x0]  }
.LBB2_5:
0x40: {  	p0 =	sne.s32 s29, $0x3FC0;
	_ =	sdelay $0x3  }
0x41: {  	vm0 =	vge.s32 v6, v2;
	vm1 =	vlt.s32 v6, v5  }
0x42: {  	vm0 =	vmand vm0, vm1  }
0x43: {  	v7 =	vsel vm0, $0x1, v0;
	v8 =	vmpcnt.ones.xlane vm0  }
0x44: {  	(xrf0) =	vadd.scan.msk.s32 $0xffff, v7  }
0x45: {  	v3 =	vadd.s32 v3, v8;
	_ =	sdelay $0x4  }
0x46: {  	v7, _, _ =	vpop (xrf0)  }
0x47: {  	v8 =	vld [tilespmem:s28+$0x1000];
	v7 =	vadd.s32 v7, v4;
	v4 =	vmov v3  }
0x48: {  	v7 =	vadd.s32 $0xFFFFFFFF, v7  }
0x49: {  	v9 =	vld [tilespmem:s28+$0x2000];
	v7 =	vnsel vm0, $0x11F0, v7  }
0x4a: {  	v6 =	vsub.s32 v6, v2  }
0x4b: {  	v6 =	vshll.u32 v6, $0xB  }
.Ltmp5:
0x4c: {  	v6 =	vadd.s32 v8, v6;
	(pc) =	sbr.rel @p0 .LBB2_5-.Ltmp5, $4  }
0x4d: {  	v6 =	vnsel vm0, $0x0, v6  }
0x4e: {  	v8 =	vnsel vm0, $0x0, v9;
	[tilespmem:v7+s21+$0x0] =	vst.idx.msk $0xffff, v6  }
0x4f: {  	s28 =	sshra.s32 s29, $0x2;
	[tilespmem:v7+s22+$0x0] =	vst.idx.msk $0xffff, v8  }
0x50: {  	s29 =	sadd.s32 $0x40, s29;
	v6 =	vld [tilespmem:s28+$0x0]  }
0x51: {  	_ =	sdelay $0x3  }
0x52: {  	vm0 =	vge.s32 v6, v2;
	vm1 =	vlt.s32 v6, v5  }
0x53: {  	vm0 =	vmand vm0, vm1  }
0x54: {  	v61 =	vmpcnt.ones.xlane vm0;
	_ =	sdelay $0x1  }
0x55: {  	v3 =	vadd.s32 v3, v61  }
0x56: {  	v7 =	vsel vm0, $0x1, v0;
	(v2sf) =	vpush v3, $0x0  }
0x57: {  	(xrf0) =	vadd.scan.msk.s32 $0xffff, v7;
	_ =	sdelay $0x5  }
0x58: {  	v3, _, _ =	vpop (xrf0)  }
0x59: {  	v62 =	vld [tilespmem:s28+$0x1000];
	v3 =	vadd.s32 v3, v4  }
0x5a: {  	v3 =	vadd.s32 $0xFFFFFFFF, v3  }
0x5b: {  	v63 =	vld [tilespmem:s28+$0x2000];
	v3 =	vnsel vm0, $0x11F0, v3  }
0x5c: {  	v2 =	vsub.s32 v6, v2  }
0x5d: {  	v2 =	vshll.u32 v2, $0xB  }
0x5e: {  	v2 =	vadd.s32 v62, v2  }
0x5f: {  	v2 =	vnsel vm0, $0x0, v2  }
0x60: {  	v4 =	vnsel vm0, $0x0, v63;
	[tilespmem:v3+s21+$0x0] =	vst.idx.msk $0xffff, v2;
	s28 =	spop (v2sf)  }
0x61: {  	[tilespmem:v3+s22+$0x0] =	vst.idx.msk $0xffff, v4;
	p0 =	slt.s32 s28, $0x1  }
.Ltmp6:
0x62: {  	_ =	swait.ge [sflag:s23], $0x2000;
	(pc) =	sbr.rel @p0 .LBB2_37-.Ltmp6, $3  }
0x63: {  	[sflag:s23] =	ssyncset.done $0x0  }
0x64: {  	[sflag:s23] =	ssyncadd.s32 $0xFFFFE000  }
0x65: {  	[bflag:$0x0] =	sbarrier.arrive $0xFFFF;
	_ =	sdelay $0x1  }
0x66: {  	p0 =	slt.u32 s28, $0x101  }
.Ltmp7:
0x67: {  	_ = 	snop;
	(pc) =	sbr.rel @p0 .LBB2_36-.Ltmp7, $2  }
0x68: {  	_ =	sdelay $0x2  }
0x69: {  	[spmem:s2] =	stream.indirect.scatter.add.f32 [tilespmem:s22], [sflag:$0x3], $0x1, s21, s24, $0xb8;
	[tilespmem:$0x15400] =	vst v63  }
0x6a: {  	s25 =	simm.s32 $0x3100;
	s26 =	simm.s32 $0x4300;
	p3 =	slt.u32 s28, $0x201  }
0x6b: {  	[spmem:s2] =	stream.indirect.scatter.add.f32 [tilespmem:s26], [sflag:$0x3], $0x1, s25, s24, $0xb8;
	[tilespmem:$0x15400] =	vst v63  }
0x6c: {  	s29 =	simm.s32 @!p3 $0x100;
	p0 =	slt.u32 @!p3 s28, $0x301  }
0x6d: {  	s25 =	simm.s32 @!p3 $0x3200;
	s26 =	simm.s32 @!p3 $0x4400;
	p1 =	por p3, p0  }
0x6e: {  	[spmem:s2] =	stream.indirect.scatter.add.f32 @!p3 [tilespmem:s26], [sflag:$0x3], $0x1, s25, s29, $0xb8;
	[tilespmem:$0x15400] =	vst v63  }
0x6f: {  	s25 =	simm.s32 @!p1 $0x100;
	p0 =	slt.u32 @!p1 s28, $0x401  }
0x70: {  	s26 =	simm.s32 @!p1 $0x3300;
	s29 =	simm.s32 @!p1 $0x4500;
	p0 =	por p1, p0  }
0x71: {  	[spmem:s2] =	stream.indirect.scatter.add.f32 @!p1 [tilespmem:s29], [sflag:$0x3], $0x1, s26, s25, $0xb8;
	[tilespmem:$0x15400] =	vst v63  }
0x72: {  	s25 =	simm.s32 @!p0 $0x100;
	p2 =	slt.u32 @!p0 s28, $0x501  }
0x73: {  	s26 =	simm.s32 @!p0 $0x3400;
	s29 =	simm.s32 @!p0 $0x4600;
	p4 =	por p0, p2  }
0x74: {  	[spmem:s2] =	stream.indirect.scatter.add.f32 @!p0 [tilespmem:s29], [sflag:$0x3], $0x1, s26, s25, $0xb8;
	[tilespmem:$0x15400] =	vst v63  }
0x75: {  	s25 =	simm.s32 @!p4 $0x100;
	p2 =	slt.u32 @!p4 s28, $0x601  }
0x76: {  	s26 =	simm.s32 @!p4 $0x3500;
	s29 =	simm.s32 @!p4 $0x4700;
	p6 =	por p4, p2  }
0x77: {  	[spmem:s2] =	stream.indirect.scatter.add.f32 @!p4 [tilespmem:s29], [sflag:$0x3], $0x1, s26, s25, $0xb8;
	[tilespmem:$0x15400] =	vst v63  }
0x78: {  	p2 =	slt.u32 @!p6 s28, $0x701  }
0x79: {  	p5 =	por p6, p2  }
0x7a: {  	p2 =	slt.u32 @!p5 s28, $0x801  }
0x7b: {  	p2 =	por p5, p2  }
.Ltmp8:
0x7c: {  	_ = 	snop;
	(pc) =	sbr.rel @p2 .LBB2_19-.Ltmp8, $4  }
0x7d: {  	s25 =	simm.s32 @!p6 $0x100;
	s26 =	simm.s32 @!p6 $0x3600;
	s29 =	simm.s32 @!p6 $0x4800  }
0x7e: {  	[spmem:s2] =	stream.indirect.scatter.add.f32 @!p6 [tilespmem:s29], [sflag:$0x3], $0x1, s26, s25, $0xb8;
	[tilespmem:$0x15400] =	vst v63  }
0x7f: {  	s25 =	simm.s32 @!p5 $0x100;
	s26 =	simm.s32 @!p5 $0x3700;
	s29 =	simm.s32 @!p5 $0x4900  }
0x80: {  	[spmem:s2] =	stream.indirect.scatter.add.f32 @!p5 [tilespmem:s29], [sflag:$0x3], $0x1, s26, s25, $0xb8;
	[tilespmem:$0x15400] =	vst v63  }
0x81: {  	s25 =	simm.s32 $0x3800;
	s26 =	simm.s32 $0x4A00;
	p0 =	slt.u32 s28, $0x901  }
0x82: {  	[spmem:s2] =	stream.indirect.scatter.add.f32 [tilespmem:s26], [sflag:$0x3], $0x1, s25, s24, $0xb8;
	[tilespmem:$0x15400] =	vst v63  }
0x83: {  	s25 =	simm.s32 @!p0 $0x100;
	p1 =	slt.u32 @!p0 s28, $0xA01  }
0x84: {  	s26 =	simm.s32 @!p0 $0x3900;
	s29 =	simm.s32 @!p0 $0x4B00;
	p1 =	por p0, p1  }
0x85: {  	[spmem:s2] =	stream.indirect.scatter.add.f32 @!p0 [tilespmem:s29], [sflag:$0x3], $0x1, s26, s25, $0xb8;
	[tilespmem:$0x15400] =	vst v63  }
0x86: {  	p2 =	slt.u32 @!p1 s28, $0xB01  }
0x87: {  	p6 =	por p1, p2  }
0x88: {  	p2 =	slt.u32 @!p6 s28, $0xC01  }
0x89: {  	p2 =	por p6, p2  }
.Ltmp9:
0x8a: {  	_ = 	snop;
	(pc) =	sbr.rel @p2 .LBB2_10-.Ltmp9, $4  }
0x8b: {  	s25 =	simm.s32 @!p1 $0x100;
	s26 =	simm.s32 @!p1 $0x3A00;
	s29 =	simm.s32 @!p1 $0x4C00  }
0x8c: {  	[spmem:s2] =	stream.indirect.scatter.add.f32 @!p1 [tilespmem:s29], [sflag:$0x3], $0x1, s26, s25, $0xb8;
	[tilespmem:$0x15400] =	vst v63  }
0x8d: {  	s25 =	simm.s32 @!p6 $0x100;
	s26 =	simm.s32 @!p6 $0x3B00;
	s29 =	simm.s32 @!p6 $0x4D00  }
0x8e: {  	[spmem:s2] =	stream.indirect.scatter.add.f32 @!p6 [tilespmem:s29], [sflag:$0x3], $0x1, s26, s25, $0xb8;
	[tilespmem:$0x15400] =	vst v63  }
0x8f: {  	s25 =	simm.s32 $0x3C00;
	s26 =	simm.s32 $0x4E00;
	p6 =	slt.u32 s28, $0xD01  }
0x90: {  	[spmem:s2] =	stream.indirect.scatter.add.f32 [tilespmem:s26], [sflag:$0x3], $0x1, s25, s24, $0xb8;
	[tilespmem:$0x15400] =	vst v63  }
0x91: {  	s25 =	simm.s32 @!p6 $0x100;
	p0 =	slt.u32 @!p6 s28, $0xE01  }
0x92: {  	s26 =	simm.s32 @!p6 $0x3D00;
	s29 =	simm.s32 @!p6 $0x4F00;
	p2 =	por p0, p6  }
0x93: {  	[spmem:s2] =	stream.indirect.scatter.add.f32 @!p6 [tilespmem:s29], [sflag:$0x3], $0x1, s26, s25, $0xb8;
	[tilespmem:$0x15400] =	vst v63  }
0x94: {  	s25 =	simm.s32 @!p2 $0x100;
	s26 =	simm.s32 @!p2 $0x3E00;
	p1 =	slt.u32 @!p2 s28, $0xF01  }
0x95: {  	s29 =	simm.s32 @!p2 $0x5000;
	p3 =	por @!p6 p1, p0;
	p4 =	por @!p6 !p1, p0  }
0x96: {  	[spmem:s2] =	stream.indirect.scatter.add.f32 @!p2 [tilespmem:s29], [sflag:$0x3], $0x1, s26, s25, $0xb8;
	[tilespmem:$0x15400] =	vst v63  }
0x97: {  	p1 =	por @!p2 $0x1, $0x1;
	p0 =	por !p0, p6;
	p3 =	por p3, p6  }
0x98: {  	p4 =	por !p4, p6;
	p2 =	por @!p2 $0x0, $0x0;
	s25 =	simm.s32 @!p3 $0x100  }
0x99: {  	s26 =	simm.s32 @!p3 $0x3F00;
	s29 =	simm.s32 @!p3 $0x5100;
	p5 =	por @!p3 $0x1, $0x1  }
0x9a: {  	[spmem:s2] =	stream.indirect.scatter.add.f32 @!p3 [tilespmem:s29], [sflag:$0x3], $0x1, s26, s25, $0xb8;
	[tilespmem:$0x15400] =	vst v63  }
0x9b: {  	p1 =	por @!p4 p5, p5;
	p2 =	por @!p4 p5, p5;
	p4 =	por @!p6 $0x1, $0x1  }
0x9c: {  	p5 =	por @!p6 $0x0, $0x0;
	p3 =	por p1, p1;
	p1 =	por @!p0 p4, p4  }
0x9d: {  	p2 =	por @!p0 p5, p5;
	p3 =	por @!p0 p5, p5;
	p0 =	por $0x0, $0x0  }
0x9e: {  	p0 =	por @!p6 p3, p3  }
0x9f: {  	p4 =	por $0x1, $0x1;
	s25 =	simm.s32 @!p0 $0x0  }
.Ltmp10:
0xa0: {  	s25 =	simm.s32 @p0 $0x1;
	p0 =	por $0x1, $0x1;
	(pc) =	sbr.rel .LBB2_12-.Ltmp10, $4  }
0xa1: {  	p4 =	por @!p6 p1, p1;
	p5 =	por $0x1, $0x1;
	p0 =	por @!p6 p1, p1  }
0xa2: {  	p5 =	por @!p6 p1, p1;
	[smem:$0x7FC] =	sst s25;
	s25 =	simm.s32 @!p0 $0x0  }
0xa3: {  	p3 =	por $0x0, $0x0;
	s25 =	simm.s32 @p0 $0x1;
	p0 =	por $0x0, $0x0  }
0xa4: {  	p3 =	por @!p6 p1, p1;
	[smem:$0x7FD] =	sst s25;
	p0 =	por @!p6 p2, p2  }
.LBB2_19:
0xa5: {  	p2 =	por @!p3 $0x0, $0x0  }
0xa6: {  	s25 =	simm.s32 @!p2 $0x0  }
0xa7: {  	s25 =	simm.s32 @p2 $0x1  }
0xa8: {  	[smem:$0x7F4] =	sst s25;
	s25 =	simm.s32 @!p3 $0x0  }
0xa9: {  	p2 =	por $0x0, $0x0;
	s25 =	simm.s32 @p3 $0x1;
	s29 =	sld [smem:$0x7F4]  }
0xaa: {  	[smem:$0x7FB] =	sst s25;
	s25 =	simm.s32 @!p2 $0x0  }
0xab: {  	s25 =	simm.s32 @p2 $0x1;
	s26 =	sld [smem:$0x7FB]  }
0xac: {  	[smem:$0x7F5] =	sst s25  }
0xad: {  	s28 =	sld [smem:$0x7F5];
	_ =	sdelay $0x1  }
0xae: {  	p2 =	seq.s32 s29, $0x1;
	s25 =	simm.s32 @!p5 $0x0  }
0xaf: {  	s25 =	simm.s32 @p5 $0x1;
	p3 =	seq.s32 s26, $0x1;
	p5 =	seq.s32 s28, $0x1  }
0xb0: {  	p5 =	por @!p3 p2, p2  }
0xb1: {  	[smem:$0x7F8] =	sst s25;
	s25 =	simm.s32 @!p5 $0x0  }
0xb2: {  	s25 =	simm.s32 @p5 $0x1  }
0xb3: {  	[smem:$0x7F5] =	sst s25  }
0xb4: {  	s25 =	sld [smem:$0x7F5];
	_ =	sdelay $0x2  }
0xb5: {  	p3 =	seq.s32 s25, $0x1  }
0xb6: {  	p5 =	por @!p1 $0x0, $0x0;
	p2 =	por p3, p3  }
0xb7: {  	p2 =	por @!p1 p5, p5  }
0xb8: {  	s25 =	simm.s32 @!p2 $0x0  }
0xb9: {  	s25 =	simm.s32 @p2 $0x1  }
0xba: {  	[smem:$0x7F9] =	sst s25  }
0xbb: {  	s25 =	sld [smem:$0x7F9];
	_ =	sdelay $0x1  }
0xbc: {  	p2 =	por @!p1 $0x1, $0x1  }
0xbd: {  	p3 =	por @!p1 p2, p2;
	p2 =	seq.s32 s25, $0x1  }
0xbe: {  	p5 =	por @!p0 $0x0, $0x0;
	p1 =	por p2, p2  }
0xbf: {  	p1 =	por @!p0 p5, p5  }
0xc0: {  	p5 =	por p1, p1;
	p1 =	por @!p0 $0x1, $0x1  }
0xc1: {  	p2 =	por @!p0 p1, p1  }
0xc2: {  	s25 =	simm.s32 @!p2 $0x0  }
0xc3: {  	s25 =	simm.s32 @p2 $0x1;
	p2 =	por @!p0 $0x1, $0x1  }
0xc4: {  	[smem:$0x7F9] =	sst s25;
	p3 =	por @!p0 p2, p2  }
0xc5: {  	p2 =	por @!p4 $0x0, $0x0;
	p0 =	por p5, p5;
	s29 =	sld [smem:$0x7F9]  }
0xc6: {  	p0 =	por @!p4 p2, p2  }
0xc7: {  	p1 =	por p5, p5;
	s25 =	simm.s32 @!p0 $0x0  }
0xc8: {  	p2 =	por @!p4 $0x1, $0x1;
	s25 =	simm.s32 @p0 $0x1;
	p0 =	seq.s32 s29, $0x1  }
0xc9: {  	[smem:$0x7F6] =	sst s25;
	p0 =	por @!p4 p2, p2;
	p2 =	por @!p4 $0x1, $0x1  }
0xca: {  	s26 =	sld [smem:$0x7F6];
	p3 =	por @!p4 p2, p2;
	p2 =	por @!p4 $0x1, $0x1  }
0xcb: {  	p1 =	por @!p4 p2, p2  }
0xcc: {  	s25 =	simm.s32 @!p1 $0x0  }
0xcd: {  	p2 =	seq.s32 s26, $0x1;
	s25 =	simm.s32 @p1 $0x1  }
0xce: {  	[smem:$0x7F7] =	sst s25;
	s25 =	simm.s32 @!p2 $0x0  }
0xcf: {  	s25 =	simm.s32 @p2 $0x1  }
0xd0: {  	[smem:$0x7FA] =	sst s25  }
0xd1: {  	s25 =	sld [smem:$0x7FA];
	_ =	sdelay $0x2  }
0xd2: {  	p4 =	por @!p6 $0x1, $0x1;
	p1 =	seq.s32 s25, $0x1  }
0xd3: {  	p1 =	por @!p6 p4, p4  }
0xd4: {  	p4 =	por @!p6 $0x1, $0x1;
	s25 =	simm.s32 @!p1 $0x0  }
0xd5: {  	p0 =	por @!p6 p4, p4;
	s25 =	simm.s32 @p1 $0x1  }
0xd6: {  	[smem:$0x7FA] =	sst s25;
	s25 =	simm.s32 @!p0 $0x0  }
0xd7: {  	s25 =	simm.s32 @p0 $0x1  }
0xd8: {  	[smem:$0x7F9] =	sst s25  }
0xd9: {  	_ =	swait.ge [sflag:s0], $0x100  }
0xda: {  	s28 =	sld [smem:$0x7F7]  }
0xdb: {  	s29 =	sld [smem:$0x7F8]  }
0xdc: {  	p4 =	por @!p6 $0x0, $0x0;
	s26 =	sld [smem:$0x7FA]  }
0xdd: {  	p2 =	por @!p6 p4, p4;
	p0 =	por @!p6 $0x1, $0x1  }
0xde: {  	p3 =	por @!p6 p0, p0;
	p1 =	seq.s32 s28, $0x1;
	p5 =	seq.s32 s29, $0x1  }
0xdf: {  	p4 =	seq.s32 s26, $0x1;
	p1 =	por @!p6 p0, p0;
	p0 =	por @!p5 $0x1, $0x1  }
0xe0: {  	p4 =	por @!p5 p0, p0  }
0xe1: {  	s25 =	simm.s32 @!p4 $0x0  }
0xe2: {  	[sflag:s0] =	ssyncset.done $0x0;
	s25 =	simm.s32 @p4 $0x1  }
0xe3: {  	[sflag:s0] =	ssyncadd.s32 $0xFFFFFF00;
	[smem:$0x7FA] =	sst s25  }
0xe4: {  	s28 =	sld [smem:$0x7F9];
	_ =	swait.ge [sflag:s0], $0x100  }
0xe5: {  	s29 =	sld [smem:$0x7FB];
	_ =	sdelay $0x2  }
0xe6: {  	p4 =	seq.s32 s29, $0x1  }
.Ltmp11:
0xe7: {  	_ = 	snop;
	(pc) =	sbr.rel @p4 .LBB2_25-.Ltmp11, $4  }
0xe8: {  	_ = 	snop  }
0xe9: {  	p3 =	por @!p5 p0, p0  }
0xea: {  	p1 =	por @!p5 p0, p0;
	p6 =	seq.s32 s28, $0x1;
	[sflag:s0] =	ssyncset.done $0x0  }
0xeb: {  	p2 =	por @!p5 p0, p0;
	p6 =	por @!p5 p0, p0;
	[sflag:s0] =	ssyncadd.s32 $0xFFFFFF00  }
.Ltmp12:
0xec: {  	(pc) =	sbr.rel @p3 .LBB2_26-.Ltmp12, $4  }
0xed: {  	_ = 	snop  }
0xee: {  	_ =	swait.ge [sflag:s0], $0x100  }
0xef: {  	[sflag:s0] =	ssyncset.done $0x0  }
0xf0: {  	[sflag:s0] =	ssyncadd.s32 $0xFFFFFF00  }
.LBB2_21:
.Ltmp13:
0xf1: {  	(pc) =	sbr.rel @!p6 .LBB2_22-.Ltmp13, $1  }
0xf2: {  	_ =	sdelay $0x3  }
.LBB2_27:
.Ltmp14:
0xf3: {  	(pc) =	sbr.rel @p1 .LBB2_28-.Ltmp14, $4  }
0xf4: {  	_ = 	snop  }
0xf5: {  	_ =	swait.ge [sflag:s0], $0x100  }
0xf6: {  	[sflag:s0] =	ssyncset.done $0x0  }
0xf7: {  	[sflag:s0] =	ssyncadd.s32 $0xFFFFFF00  }
.LBB2_23:
0xf8: {  	s25 =	sld [smem:$0x7FA];
	_ =	sdelay $0x2  }
0xf9: {  	p0 =	seq.s32 s25, $0x1  }
.Ltmp15:
0xfa: {  	_ = 	snop;
	(pc) =	sbr.rel @!p0 .LBB2_24-.Ltmp15, $1  }
0xfb: {  	_ =	sdelay $0x3  }
.LBB2_29:
.Ltmp16:
0xfc: {  	(pc) =	sbr.rel @p2 .LBB2_36-.Ltmp16, $4  }
.Ltmp17:
0xfd: {  	(pc) =	sbr.rel @!p2 .LBB2_37-.Ltmp17, $4  }
0xfe: {  	_ =	swait.ge [sflag:s0], $0x100  }
0xff: {  	[sflag:s0] =	ssyncset.done $0x0  }
0x100: {  	[sflag:s0] =	ssyncadd.s32 $0xFFFFFF00  }
0x101: {  	_ = 	snop  }
.LBB2_10:
0x102: {  	p2 =	por @!p0 $0x0, $0x0;
	p4 =	por $0x0, $0x0  }
0x103: {  	p4 =	por @!p0 p2, p2  }
0x104: {  	p3 =	por @!p1 $0x1, $0x1;
	p2 =	por @!p1 $0x0, $0x0;
	p0 =	por p4, p4  }
0x105: {  	p4 =	por @!p1 p3, p3;
	p0 =	por @!p1 p2, p2  }
0x106: {  	p1 =	por @!p6 $0x1, $0x1;
	p2 =	por @!p6 $0x0, $0x0;
	p3 =	por p0, p0  }
0x107: {  	p5 =	por p0, p0;
	p4 =	por @!p6 p1, p1;
	p3 =	por @!p6 p2, p2  }
0x108: {  	p5 =	por @!p6 p1, p1;
	p1 =	por p0, p0;
	s25 =	simm.s32 @!p3 $0x0  }
0x109: {  	p1 =	por @!p6 p2, p2;
	s25 =	simm.s32 @p3 $0x1  }
0x10a: {  	[smem:$0x7FC] =	sst s25;
	s25 =	simm.s32 @!p1 $0x0  }
0x10b: {  	p3 =	por p0, p0;
	s25 =	simm.s32 @p1 $0x1  }
0x10c: {  	p0 =	por @!p6 p2, p2;
	p3 =	por @!p6 p2, p2;
	[smem:$0x7FD] =	sst s25  }
.LBB2_12:
0x10d: {  	_ =	swait.ge [sflag:s0], $0x100  }
0x10e: {  	[sflag:s0] =	ssyncset.done $0x0  }
0x10f: {  	[sflag:s0] =	ssyncadd.s32 $0xFFFFFF00  }
0x110: {  	_ =	swait.ge [sflag:s0], $0x100  }
0x111: {  	[sflag:s0] =	ssyncset.done $0x0  }
0x112: {  	[sflag:s0] =	ssyncadd.s32 $0xFFFFFF00  }
0x113: {  	_ =	swait.ge [sflag:s0], $0x100  }
0x114: {  	[sflag:s0] =	ssyncset.done $0x0  }
0x115: {  	[sflag:s0] =	ssyncadd.s32 $0xFFFFFF00  }
0x116: {  	_ =	swait.ge [sflag:s0], $0x100  }
0x117: {  	[sflag:s0] =	ssyncset.done $0x0  }
0x118: {  	[sflag:s0] =	ssyncadd.s32 $0xFFFFFF00  }
0x119: {  	_ =	swait.ge [sflag:s0], $0x100  }
0x11a: {  	[sflag:s0] =	ssyncset.done $0x0  }
0x11b: {  	[sflag:s0] =	ssyncadd.s32 $0xFFFFFF00  }
0x11c: {  	_ =	swait.ge [sflag:s0], $0x100  }
0x11d: {  	[sflag:s0] =	ssyncset.done $0x0  }
0x11e: {  	[sflag:s0] =	ssyncadd.s32 $0xFFFFFF00  }
0x11f: {  	_ =	swait.ge [sflag:s0], $0x100  }
0x120: {  	[sflag:s0] =	ssyncset.done $0x0  }
0x121: {  	[sflag:s0] =	ssyncadd.s32 $0xFFFFFF00  }
0x122: {  	p1 =	sgt.u32 s28, $0x900;
	_ =	swait.ge [sflag:s0], $0x100  }
.Ltmp18:
0x123: {  	[sflag:s0] =	ssyncset.done $0x0;
	(pc) =	sbr.rel @!p1 .LBB2_30-.Ltmp18, $4  }
0x124: {  	[sflag:s0] =	ssyncadd.s32 $0xFFFFFF00  }
0x125: {  	_ =	swait.ge [sflag:s0], $0x100  }
0x126: {  	[sflag:s0] =	ssyncset.done $0x0  }
0x127: {  	[sflag:s0] =	ssyncadd.s32 $0xFFFFFF00  }
.Ltmp19:
0x128: {  	(pc) =	sbr.rel @p4 .LBB2_31-.Ltmp19, $4  }
0x129: {  	_ = 	snop  }
0x12a: {  	_ =	swait.ge [sflag:s0], $0x100  }
0x12b: {  	[sflag:s0] =	ssyncset.done $0x0  }
0x12c: {  	[sflag:s0] =	ssyncadd.s32 $0xFFFFFF00  }
.LBB2_14:
.Ltmp20:
0x12d: {  	(pc) =	sbr.rel @!p5 .LBB2_15-.Ltmp20, $1  }
0x12e: {  	_ =	sdelay $0x3  }
.LBB2_32:
0x12f: {  	_ =	swait.ge [sflag:s0], $0x100  }
0x130: {  	s25 =	sld [smem:$0x7FD];
	_ =	sdelay $0x2  }
0x131: {  	p1 =	seq.s32 s25, $0x1  }
.Ltmp21:
0x132: {  	_ = 	snop;
	(pc) =	sbr.rel @p1 .LBB2_33-.Ltmp21, $3  }
0x133: {  	_ =	sdelay $0x1  }
0x134: {  	[sflag:s0] =	ssyncset.done $0x0  }
0x135: {  	[sflag:s0] =	ssyncadd.s32 $0xFFFFFF00  }
.LBB2_16:
.Ltmp22:
0x136: {  	(pc) =	sbr.rel @!p3 .LBB2_17-.Ltmp22, $1  }
0x137: {  	_ =	sdelay $0x3  }
.LBB2_34:
0x138: {  	_ =	swait.ge [sflag:s0], $0x100  }
0x139: {  	s25 =	sld [smem:$0x7FC];
	_ =	sdelay $0x2  }
0x13a: {  	p1 =	seq.s32 s25, $0x1  }
.Ltmp23:
0x13b: {  	_ = 	snop;
	(pc) =	sbr.rel @p1 .LBB2_35-.Ltmp23, $3  }
0x13c: {  	_ =	sdelay $0x1  }
0x13d: {  	[sflag:s0] =	ssyncset.done $0x0  }
0x13e: {  	[sflag:s0] =	ssyncadd.s32 $0xFFFFFF00  }
.LBB2_18:
.Ltmp24:
0x13f: {  	(pc) =	sbr.rel @!p0 .LBB2_37-.Ltmp24, $4  }
.Ltmp25:
0x140: {  	(pc) =	sbr.rel @p0 .LBB2_36-.Ltmp25, $4  }
0x141: {  	_ = 	snop  }
0x142: {  	_ = 	snop  }
0x143: {  	_ = 	snop  }
0x144: {  	_ = 	snop  }
.LBB2_25:
.Ltmp26:
0x145: {  	(pc) =	sbr.rel @!p3 .LBB2_21-.Ltmp26, $1  }
0x146: {  	_ =	sdelay $0x3  }
.LBB2_26:
.Ltmp27:
0x147: {  	(pc) =	sbr.rel @p6 .LBB2_27-.Ltmp27, $4  }
0x148: {  	_ = 	snop  }
0x149: {  	_ =	swait.ge [sflag:s0], $0x100  }
0x14a: {  	[sflag:s0] =	ssyncset.done $0x0  }
0x14b: {  	[sflag:s0] =	ssyncadd.s32 $0xFFFFFF00  }
.LBB2_22:
.Ltmp28:
0x14c: {  	(pc) =	sbr.rel @!p1 .LBB2_23-.Ltmp28, $1  }
0x14d: {  	_ =	sdelay $0x3  }
.LBB2_28:
0x14e: {  	_ =	swait.ge [sflag:s0], $0x100  }
0x14f: {  	s25 =	sld [smem:$0x7FA];
	_ =	sdelay $0x2  }
0x150: {  	p0 =	seq.s32 s25, $0x1  }
.Ltmp29:
0x151: {  	_ = 	snop;
	(pc) =	sbr.rel @p0 .LBB2_29-.Ltmp29, $3  }
0x152: {  	_ =	sdelay $0x1  }
0x153: {  	[sflag:s0] =	ssyncset.done $0x0  }
0x154: {  	[sflag:s0] =	ssyncadd.s32 $0xFFFFFF00  }
.LBB2_24:
.Ltmp30:
0x155: {  	(pc) =	sbr.rel @p2 .LBB2_36-.Ltmp30, $4  }
.Ltmp31:
0x156: {  	(pc) =	sbr.rel @!p2 .LBB2_37-.Ltmp31, $4  }
0x157: {  	_ = 	snop  }
0x158: {  	_ = 	snop  }
0x159: {  	_ = 	snop  }
0x15a: {  	_ = 	snop  }
.LBB2_30:
.Ltmp32:
0x15b: {  	(pc) =	sbr.rel @!p4 .LBB2_14-.Ltmp32, $1  }
0x15c: {  	_ =	sdelay $0x3  }
.LBB2_31:
.Ltmp33:
0x15d: {  	(pc) =	sbr.rel @p5 .LBB2_32-.Ltmp33, $4  }
0x15e: {  	_ = 	snop  }
0x15f: {  	_ =	swait.ge [sflag:s0], $0x100  }
0x160: {  	[sflag:s0] =	ssyncset.done $0x0  }
0x161: {  	[sflag:s0] =	ssyncadd.s32 $0xFFFFFF00  }
.LBB2_15:
0x162: {  	s25 =	sld [smem:$0x7FD];
	_ =	sdelay $0x2  }
0x163: {  	p1 =	seq.s32 s25, $0x1  }
.Ltmp34:
0x164: {  	_ = 	snop;
	(pc) =	sbr.rel @!p1 .LBB2_16-.Ltmp34, $1  }
0x165: {  	_ =	sdelay $0x3  }
.LBB2_33:
.Ltmp35:
0x166: {  	(pc) =	sbr.rel @p3 .LBB2_34-.Ltmp35, $4  }
0x167: {  	_ = 	snop  }
0x168: {  	_ =	swait.ge [sflag:s0], $0x100  }
0x169: {  	[sflag:s0] =	ssyncset.done $0x0  }
0x16a: {  	[sflag:s0] =	ssyncadd.s32 $0xFFFFFF00  }
.LBB2_17:
0x16b: {  	s25 =	sld [smem:$0x7FC];
	_ =	sdelay $0x2  }
0x16c: {  	p1 =	seq.s32 s25, $0x1  }
.Ltmp36:
0x16d: {  	_ = 	snop;
	(pc) =	sbr.rel @!p1 .LBB2_18-.Ltmp36, $1  }
0x16e: {  	_ =	sdelay $0x3  }
.LBB2_35:
.Ltmp37:
0x16f: {  	(pc) =	sbr.rel @!p0 .LBB2_37-.Ltmp37, $4  }
.Ltmp38:
0x170: {  	(pc) =	sbr.rel @p0 .LBB2_36-.Ltmp38, $4  }
0x171: {  	_ =	swait.ge [sflag:s0], $0x100  }
0x172: {  	[sflag:s0] =	ssyncset.done $0x0  }
0x173: {  	[sflag:s0] =	ssyncadd.s32 $0xFFFFFF00  }
0x174: {  	_ = 	snop  }
.LBB2_39:
0x175: {  	_ =	sfence.sel $0x180000  }
0x176: {  	[bflag:$0x0] =	sbarrier.arrive $0xFFFF  }
0x177: {  	_ =	strace $0x90000047  }
0x178: {  	s0 =	stileid.u32;
	[bflag:$0x2] =	sbarrier.arrive $0xFFFF  }
0x179: {  	p0 =	sne.s32 s0, $0x0;
	s0 =	rddreg [dreg:$0x3]  }
0x17a: {  	s0 =	sadd.s32 @!p0 $0x100000, s0  }
0x17b: {  	[sflag:s0] =	ssyncadd.tile.s32 @!p0 $0x1;
	_ =	shalt  }
.Lfunc_end2:
_tile_overlayer_lowered:
.L_overlay_start_2:
0x17c: {  	(tag) =	ssettag $0x2  }
0x17d: {  	s0 =	rddreg [dreg:$0x0];
	s2 =	stileid.u32  }
0x17e: {  	s1 =	rddreg [dreg:$0x1];
	p0 =	sne.s32 s2, $0x0  }
0x17f: {  	s3 =	rddreg [dreg:$0x2];
	[bflag:$0x3] =	sbarrier.arrive $0xFFFF;
	s2 =	simm.s32 @!p0 $0x1C04  }
0x180: {  	[timem:s3], [sflag:s2] =	dma.local @!p0 [hbm:s0], s1  }
0x181: {  	s0 =	simm.s32 @!p0 $0x4  }
0x182: {  	_ =	swait.ge @!p0 [sflag:s0], s1  }
0x183: {  	s1 =	ssub.s32 @!p0 $0x0, s1;
	[sflag:s0] =	ssyncset.done @!p0 $0x0  }
0x184: {  	[sflag:s0] =	ssyncadd.s32 @!p0 s1  }
0x185: {  	[bflag:$0x3] =	sbarrier.arrive $0xFFFF  }
0x186: {  	_ =	shalt  }

</sc_bundles>
